<compile_context>
chip_gen: v7x
topology: tpu7x:2x2x1
jax: 0.10.2.dev20260603
libtpu: 0.0.44.dev20260713+nightly
codegen_flags: <defaults>
</compile_context>

<pallas_src>
import functools

import jax
import jax.numpy as jnp
from jax import lax
from jax.experimental import pallas as pl
from jax.experimental.pallas import tpu as pltpu
from jax.experimental.pallas import tpu_sc as plsc

_INFO = plsc.get_sparse_core_info()
_NC = _INFO.num_cores
_NS = _INFO.num_subcores
_NW = _NC * _NS
_CHUNK = 128
_NBUF = 4
_PITCH = 129


@functools.partial(jax.jit, static_argnums=(2, 3, 4))
def _sc_embed(table, idx_flat, n_l, n_j, cpw):
    d = table.shape[1]
    dt = d // 8
    mesh = plsc.VectorSubcoreMesh(core_axis_name="c", subcore_axis_name="s")

    @functools.partial(
        pl.kernel,
        mesh=mesh,
        compiler_params=pltpu.CompilerParams(
            use_tc_tiling_on_sc=False, needs_layout_passes=False
        ),
        out_type=jax.ShapeDtypeStruct((n_l, dt, n_j, 8, 128), jnp.float32),
        scratch_types=(
            [pltpu.VMEM((cpw * _CHUNK,), jnp.int32)]
            + [pltpu.VMEM((_CHUNK, d), jnp.float32) for _ in range(_NBUF)]
            + [pltpu.VMEM((dt, 8, _PITCH), jnp.float32) for _ in range(2)]
            + [pltpu.SemaphoreType.DMA for _ in range(_NBUF + 2)]
        ),
    )
    def k(table_hbm, idx_hbm, out_hbm, idx_v, *rest):
        rbs = rest[:_NBUF]
        tbs = rest[_NBUF:_NBUF + 2]
        gss = rest[_NBUF + 2:2 * _NBUF + 2]
        sss = rest[2 * _NBUF + 2:]
        wid = lax.axis_index("s") * _NC + lax.axis_index("c")
        base_k = wid * cpw
        pltpu.sync_copy(idx_hbm.at[pl.ds(base_k * _CHUNK, cpw * _CHUNK)], idx_v)

        iota = lax.cumsum(jnp.full((16,), 1, jnp.int32)) - 1
        ones = jnp.full((16,), 1, jnp.int32)
        ivs = [(iota + 16 * h) >> 3 for h in range(d // 16)]
        svs = [(iota + 16 * h) & 7 for h in range(d // 16)]

        def gather(t, rb, gs):
            pltpu.async_copy(
                table_hbm.at[idx_v.at[pl.ds(t * _CHUNK, _CHUNK)]], rb, gs
            )

        def wait_gather(rb, gs):
            pltpu.make_async_copy(
                table_hbm.at[pl.ds(0, _CHUNK)], rb, gs
            ).wait()

        def transpose(rb, tb):
            @plsc.parallel_loop(0, _CHUNK, unroll=8)
            def _(kk):
                kv = ones * kk
                for h in range(d // 16):
                    v = rb[kk, pl.ds(16 * h, 16)]
                    plsc.store_scatter(tb, [ivs[h], svs[h], kv], v)

        def src_view(tb):
            return tb.at[pl.ds(0, dt), pl.ds(0, 8), pl.ds(0, 128)]

        def store_tiles(t, tb, ss):
            k_abs = base_k + t
            l = k_abs >> 7
            j = k_abs & 127
            pltpu.async_copy(src_view(tb), out_hbm.at[l, pl.ds(0, dt), j], ss)

        def wait_stores(tb, ss):
            pltpu.make_async_copy(
                src_view(tb), out_hbm.at[0, pl.ds(0, dt), 0], ss
            ).wait()

        for b in range(_NBUF):
            gather(b, rbs[b], gss[b])

        def body(i, carry):
            for b in range(_NBUF):
                t = i * _NBUF + b
                tb = tbs[b % 2]
                ss = sss[b % 2]
                wait_gather(rbs[b], gss[b])

                @pl.when(t >= 2)
                def _():
                    wait_stores(tb, ss)

                transpose(rbs[b], tb)

                @pl.when(t + _NBUF < cpw)
                def _():
                    gather(t + _NBUF, rbs[b], gss[b])

                store_tiles(t, tb, ss)
            return carry

        lax.fori_loop(0, cpw // _NBUF, body, 0)
        wait_stores(tbs[0], sss[0])
        wait_stores(tbs[1], sss[1])

    return k(table, idx_flat)


def kernel(src_ids, embed_weight):
    b, l = src_ids.shape
    d = embed_weight.shape[1]
    n_j = b // 128
    n_blocks = l * n_j
    cpw = n_blocks // _NW
    idx = src_ids.T.reshape(-1).astype(jnp.int32)
    out5 = _sc_embed(embed_weight, idx, l, n_j, cpw)
    return out5.transpose(2, 4, 0, 1, 3).reshape(b, l, d)

# --- scband reference (transcript-rebuilt; emitter-appended) ---
"""Pipeline reference for scband-tiny-encoder-21354577396454 (READ-ONLY COPY).

The authoritative reference and input builder live on the scoring server;
editing this copy changes nothing except your own understanding.
"""

import jax, jax.numpy as jnp
import numpy as np

VOCAB = 1000000
D = 64
B = 16384
L = 50


def setup_inputs(seed: int = 0) -> dict:
    key = jax.random.key(seed)
    k_idx, k_emb = jax.random.split(key, 2)
    src_ids = jax.random.randint(k_idx, (B, L), 0, VOCAB, dtype=jnp.int64 if jax.config.read('jax_enable_x64') else jnp.int32)
    # nn.Embedding default init: N(0, 1)
    embed_weight = jax.random.normal(k_emb, (VOCAB, D), dtype=jnp.float32)
    return {"src_ids": src_ids, "embed_weight": embed_weight}


def reference(src_ids, embed_weight):
    # TinyEncoder.forward: return self.embed(src_ids)
    return jnp.take(embed_weight, src_ids, axis=0)

if __name__ == "__main__":
    import jax
    _d = setup_inputs()
    print(jax.jit(kernel)(*tuple(_d.values())))

</pallas_src>

<mosaic_0001>
#map = affine_map<(d0, d1) -> (0, 0)>
#map1 = affine_map<(d0, d1) -> (0)>
#map2 = affine_map<(d0, d1) -> (0, 0, 0, 0, 0)>
module attributes {stable_mosaic.version = 14 : i64} {
  func.func @k(%arg0: i32, %arg1: i32, %arg2: memref<1000000x64xf32, #tpu.memory_space<hbm>>, %arg3: memref<819200xi32, #tpu.memory_space<hbm>>, %arg4: memref<50x8x128x8x128xf32, #tpu.memory_space<hbm>>, %arg5: memref<25600xi32, #tpu.memory_space<vmem>>, %arg6: memref<128x64xf32, #tpu.memory_space<vmem>>, %arg7: memref<128x64xf32, #tpu.memory_space<vmem>>, %arg8: memref<128x64xf32, #tpu.memory_space<vmem>>, %arg9: memref<128x64xf32, #tpu.memory_space<vmem>>, %arg10: memref<8x8x129xf32, #tpu.memory_space<vmem>>, %arg11: memref<8x8x129xf32, #tpu.memory_space<vmem>>, %arg12: memref<!tpu.dma_semaphore, #tpu.memory_space<semaphore_mem>>, %arg13: memref<!tpu.dma_semaphore, #tpu.memory_space<semaphore_mem>>, %arg14: memref<!tpu.dma_semaphore, #tpu.memory_space<semaphore_mem>>, %arg15: memref<!tpu.dma_semaphore, #tpu.memory_space<semaphore_mem>>, %arg16: memref<!tpu.dma_semaphore, #tpu.memory_space<semaphore_mem>>, %arg17: memref<!tpu.dma_semaphore, #tpu.memory_space<semaphore_mem>>) attributes {dimension_semantics = [#tpu.dimension_semantics<core_parallel>, #tpu.dimension_semantics<subcore_parallel>], iteration_bounds = array<i64: 2, 16>, scalar_prefetch = 0 : i64, scratch_operands = 13 : i64, tpu.core_type = #tpu.core_type<sc_vector_subcore>, window_params = [{transform_indices = #map}, {transform_indices = #map1}, {transform_indices = #map2}]} {
    %mul3A = arith.constant 2 : i32
    %mul3A_0 = arith.muli %arg1, %mul3A : i32
    %add3A = arith.addi %mul3A_0, %arg0 : i32
    %mul3A_1 = arith.constant 200 : i32
    %mul3A_2 = arith.muli %add3A, %mul3A_1 : i32
    %mul3A_3 = arith.constant 128 : i32
    %mul3A_4 = arith.muli %mul3A_2, %mul3A_3 : i32
    "tpu.region"() ({
      %run_scoped3A = tpu.sem_alloc : memref<!tpu.dma_semaphore, #tpu.memory_space<semaphore_mem>>
      %dma_start3A_121 = tpu.memref_slice %arg3[%mul3A_4] : memref<819200xi32, #tpu.memory_space<hbm>> -> memref<25600xi32, #tpu.memory_space<hbm>>
      %dma_start3A_122 = tpu.memref_slice %arg3[%mul3A_4] : memref<819200xi32, #tpu.memory_space<hbm>> -> memref<25600xi32, #tpu.memory_space<hbm>>
      tpu.enqueue_dma source(%dma_start3A_122 : memref<25600xi32, #tpu.memory_space<hbm>>) target(%arg5 : memref<25600xi32, #tpu.memory_space<vmem>>) target_semaphore(%run_scoped3A : memref<!tpu.dma_semaphore, #tpu.memory_space<semaphore_mem>>)
      %dma_wait3A_123 = tpu.memref_slice %arg3[%mul3A_4] : memref<819200xi32, #tpu.memory_space<hbm>> -> memref<25600xi32, #tpu.memory_space<hbm>>
      %dma_wait3A_124 = tpu.memref_slice %arg3[%mul3A_4] : memref<819200xi32, #tpu.memory_space<hbm>> -> memref<25600xi32, #tpu.memory_space<hbm>>
      tpu.wait_dma2 semaphore(%run_scoped3A : memref<!tpu.dma_semaphore, #tpu.memory_space<semaphore_mem>>) src(%dma_wait3A_124 : memref<25600xi32, #tpu.memory_space<hbm>>) dst(%arg5 : memref<25600xi32, #tpu.memory_space<vmem>>)
      tpu.yield
    }) : () -> ()
    %broadcast_in_dim3A = arith.constant 1 : i32
    %broadcast_in_dim3A_5 = vector.broadcast %broadcast_in_dim3A : i32 to vector<16xi32>
    %cumsum3A = arith.constant true
    %cumsum3A_6 = vector.broadcast %cumsum3A : i1 to vector<16xi1>
    %cumsum3A_7 = tpu.scan <sum>, %broadcast_in_dim3A_5 masked %cumsum3A_6 : vector<16xi32>, vector<16xi1> -> vector<16xi32>
    %sub3A = arith.constant 1 : i32
    %sub3A_8 = vector.broadcast %sub3A : i32 to vector<16xi32>
    %sub3A_9 = arith.subi %cumsum3A_7, %sub3A_8 : vector<16xi32>
    %broadcast_in_dim3A_10 = arith.constant 1 : i32
    %broadcast_in_dim3A_11 = vector.broadcast %broadcast_in_dim3A_10 : i32 to vector<16xi32>
    %add3A_12 = arith.constant 0 : i32
    %add3A_13 = vector.broadcast %add3A_12 : i32 to vector<16xi32>
    %add3A_14 = arith.addi %sub3A_9, %add3A_13 : vector<16xi32>
    %shift_right_arithmetic3A = arith.constant 3 : i32
    %shift_right_arithmetic3A_15 = vector.broadcast %shift_right_arithmetic3A : i32 to vector<16xi32>
    %shift_right_arithmetic3A_16 = arith.shrsi %add3A_14, %shift_right_arithmetic3A_15 : vector<16xi32>
    %add3A_17 = arith.constant 16 : i32
    %add3A_18 = vector.broadcast %add3A_17 : i32 to vector<16xi32>
    %add3A_19 = arith.addi %sub3A_9, %add3A_18 : vector<16xi32>
    %shift_right_arithmetic3A_20 = arith.constant 3 : i32
    %shift_right_arithmetic3A_21 = vector.broadcast %shift_right_arithmetic3A_20 : i32 to vector<16xi32>
    %shift_right_arithmetic3A_22 = arith.shrsi %add3A_19, %shift_right_arithmetic3A_21 : vector<16xi32>
    %add3A_23 = arith.constant 32 : i32
    %add3A_24 = vector.broadcast %add3A_23 : i32 to vector<16xi32>
    %add3A_25 = arith.addi %sub3A_9, %add3A_24 : vector<16xi32>
    %shift_right_arithmetic3A_26 = arith.constant 3 : i32
    %shift_right_arithmetic3A_27 = vector.broadcast %shift_right_arithmetic3A_26 : i32 to vector<16xi32>
    %shift_right_arithmetic3A_28 = arith.shrsi %add3A_25, %shift_right_arithmetic3A_27 : vector<16xi32>
    %add3A_29 = arith.constant 48 : i32
    %add3A_30 = vector.broadcast %add3A_29 : i32 to vector<16xi32>
    %add3A_31 = arith.addi %sub3A_9, %add3A_30 : vector<16xi32>
    %shift_right_arithmetic3A_32 = arith.constant 3 : i32
    %shift_right_arithmetic3A_33 = vector.broadcast %shift_right_arithmetic3A_32 : i32 to vector<16xi32>
    %shift_right_arithmetic3A_34 = arith.shrsi %add3A_31, %shift_right_arithmetic3A_33 : vector<16xi32>
    %add3A_35 = arith.constant 0 : i32
    %add3A_36 = vector.broadcast %add3A_35 : i32 to vector<16xi32>
    %add3A_37 = arith.addi %sub3A_9, %add3A_36 : vector<16xi32>
    %and3A = arith.constant 7 : i32
    %and3A_38 = vector.broadcast %and3A : i32 to vector<16xi32>
    %and3A_39 = arith.andi %add3A_37, %and3A_38 : vector<16xi32>
    %add3A_40 = arith.constant 16 : i32
    %add3A_41 = vector.broadcast %add3A_40 : i32 to vector<16xi32>
    %add3A_42 = arith.addi %sub3A_9, %add3A_41 : vector<16xi32>
    %and3A_43 = arith.constant 7 : i32
    %and3A_44 = vector.broadcast %and3A_43 : i32 to vector<16xi32>
    %and3A_45 = arith.andi %add3A_42, %and3A_44 : vector<16xi32>
    %add3A_46 = arith.constant 32 : i32
    %add3A_47 = vector.broadcast %add3A_46 : i32 to vector<16xi32>
    %add3A_48 = arith.addi %sub3A_9, %add3A_47 : vector<16xi32>
    %and3A_49 = arith.constant 7 : i32
    %and3A_50 = vector.broadcast %and3A_49 : i32 to vector<16xi32>
    %and3A_51 = arith.andi %add3A_48, %and3A_50 : vector<16xi32>
    %add3A_52 = arith.constant 48 : i32
    %add3A_53 = vector.broadcast %add3A_52 : i32 to vector<16xi32>
    %add3A_54 = arith.addi %sub3A_9, %add3A_53 : vector<16xi32>
    %and3A_55 = arith.constant 7 : i32
    %and3A_56 = vector.broadcast %and3A_55 : i32 to vector<16xi32>
    %and3A_57 = arith.andi %add3A_54, %and3A_56 : vector<16xi32>
    %dma_start3A = arith.constant 0 : i32
    %dma_start3A_58 = tpu.memref_slice %arg5[%dma_start3A] : memref<25600xi32, #tpu.memory_space<vmem>> -> memref<128xi32, #tpu.memory_space<vmem>>
    %dma_start3A_59 = arith.constant 0 : i32
    %dma_start3A_60 = arith.constant 0 : i32
    %dma_start3A_61 = tpu.memref_slice %arg2[%dma_start3A_59, %dma_start3A_60] : memref<1000000x64xf32, #tpu.memory_space<hbm>> -> memref<1000000x64xf32, #tpu.memory_space<hbm>>
    tpu.enqueue_indirect_dma source(%dma_start3A_61 : memref<1000000x64xf32, #tpu.memory_space<hbm>>) target(%arg6 : memref<128x64xf32, #tpu.memory_space<vmem>>) offsets(%dma_start3A_58 : memref<128xi32, #tpu.memory_space<vmem>>) semaphore(%arg12 : memref<!tpu.dma_semaphore, #tpu.memory_space<semaphore_mem>>)
    %dma_start3A_62 = arith.constant 128 : i32
    %dma_start3A_63 = tpu.memref_slice %arg5[%dma_start3A_62] : memref<25600xi32, #tpu.memory_space<vmem>> -> memref<128xi32, #tpu.memory_space<vmem>>
    %dma_start3A_64 = arith.constant 0 : i32
    %dma_start3A_65 = arith.constant 0 : i32
    %dma_start3A_66 = tpu.memref_slice %arg2[%dma_start3A_64, %dma_start3A_65] : memref<1000000x64xf32, #tpu.memory_space<hbm>> -> memref<1000000x64xf32, #tpu.memory_space<hbm>>
    tpu.enqueue_indirect_dma source(%dma_start3A_66 : memref<1000000x64xf32, #tpu.memory_space<hbm>>) target(%arg7 : memref<128x64xf32, #tpu.memory_space<vmem>>) offsets(%dma_start3A_63 : memref<128xi32, #tpu.memory_space<vmem>>) semaphore(%arg13 : memref<!tpu.dma_semaphore, #tpu.memory_space<semaphore_mem>>)
    %dma_start3A_67 = arith.constant 256 : i32
    %dma_start3A_68 = tpu.memref_slice %arg5[%dma_start3A_67] : memref<25600xi32, #tpu.memory_space<vmem>> -> memref<128xi32, #tpu.memory_space<vmem>>
    %dma_start3A_69 = arith.constant 0 : i32
    %dma_start3A_70 = arith.constant 0 : i32
    %dma_start3A_71 = tpu.memref_slice %arg2[%dma_start3A_69, %dma_start3A_70] : memref<1000000x64xf32, #tpu.memory_space<hbm>> -> memref<1000000x64xf32, #tpu.memory_space<hbm>>
    tpu.enqueue_indirect_dma source(%dma_start3A_71 : memref<1000000x64xf32, #tpu.memory_space<hbm>>) target(%arg8 : memref<128x64xf32, #tpu.memory_space<vmem>>) offsets(%dma_start3A_68 : memref<128xi32, #tpu.memory_space<vmem>>) semaphore(%arg14 : memref<!tpu.dma_semaphore, #tpu.memory_space<semaphore_mem>>)
    %dma_start3A_72 = arith.constant 384 : i32
    %dma_start3A_73 = tpu.memref_slice %arg5[%dma_start3A_72] : memref<25600xi32, #tpu.memory_space<vmem>> -> memref<128xi32, #tpu.memory_space<vmem>>
    %dma_start3A_74 = arith.constant 0 : i32
    %dma_start3A_75 = arith.constant 0 : i32
    %dma_start3A_76 = tpu.memref_slice %arg2[%dma_start3A_74, %dma_start3A_75] : memref<1000000x64xf32, #tpu.memory_space<hbm>> -> memref<1000000x64xf32, #tpu.memory_space<hbm>>
    tpu.enqueue_indirect_dma source(%dma_start3A_76 : memref<1000000x64xf32, #tpu.memory_space<hbm>>) target(%arg9 : memref<128x64xf32, #tpu.memory_space<vmem>>) offsets(%dma_start3A_73 : memref<128xi32, #tpu.memory_space<vmem>>) semaphore(%arg15 : memref<!tpu.dma_semaphore, #tpu.memory_space<semaphore_mem>>)
    %scan3A = arith.constant 0 : i32
    %scan3A_77 = arith.constant 0 : i32
    %scan3A_78 = arith.constant 50 : i32
    %scan3A_79 = arith.addi %scan3A_77, %scan3A_78 : i32
    %scan3A_80 = arith.constant 1 : i32
    scf.for %scan3A_121 = %scan3A_77 to %scan3A_79 step %scan3A_80  : i32 {
      %mul3A_122 = arith.constant 4 : i32
      %mul3A_123 = arith.muli %scan3A_121, %mul3A_122 : i32
      %add3A_124 = arith.constant 0 : i32
      %add3A_125 = arith.addi %mul3A_123, %add3A_124 : i32
      %dma_wait3A_126 = arith.constant 0 : i32
      %dma_wait3A_127 = arith.constant 0 : i32
      %dma_wait3A_128 = tpu.memref_slice %arg2[%dma_wait3A_126, %dma_wait3A_127] : memref<1000000x64xf32, #tpu.memory_space<hbm>> -> memref<128x64xf32, #tpu.memory_space<hbm>>
      %dma_wait3A_129 = arith.constant 0 : i32
      %dma_wait3A_130 = arith.constant 0 : i32
      %dma_wait3A_131 = tpu.memref_slice %arg2[%dma_wait3A_129, %dma_wait3A_130] : memref<1000000x64xf32, #tpu.memory_space<hbm>> -> memref<128x64xf32, #tpu.memory_space<hbm>>
      tpu.wait_dma2 semaphore(%arg12 : memref<!tpu.dma_semaphore, #tpu.memory_space<semaphore_mem>>) src(%dma_wait3A_131 : memref<128x64xf32, #tpu.memory_space<hbm>>) dst(%arg6 : memref<128x64xf32, #tpu.memory_space<vmem>>)
      %ge3A = arith.constant 2 : i32
      %ge3A_132 = arith.cmpi sge, %add3A_125, %ge3A : i32
      %convert_element_type3A = arith.extui %ge3A_132 : i1 to i32
      %cond3A = arith.constant 0 : i32
      %cond3A_133 = arith.cmpi ne, %convert_element_type3A, %cond3A : i32
      scf.if %cond3A_133 {
        %dma_wait3A_309 = arith.constant 0 : i32
        %dma_wait3A_310 = arith.constant 0 : i32
        %dma_wait3A_311 = arith.constant 0 : i32
        %dma_wait3A_312 = arith.constant 0 : i32
        %dma_wait3A_313 = arith.constant 0 : i32
        %dma_wait3A_314 = tpu.memref_slice %arg10[%dma_wait3A_311, %dma_wait3A_312, %dma_wait3A_313] : memref<8x8x129xf32, #tpu.memory_space<vmem>> -> memref<8x8x128xf32, #tpu.memory_space<vmem>>
        %dma_wait3A_315 = arith.constant 0 : i32
        %dma_wait3A_316 = arith.constant 0 : i32
        %dma_wait3A_317 = arith.constant 0 : i32
        %dma_wait3A_318 = tpu.memref_slice %arg4[%dma_wait3A_309, %dma_wait3A_315, %dma_wait3A_310, %dma_wait3A_316, %dma_wait3A_317] : memref<50x8x128x8x128xf32, #tpu.memory_space<hbm>> -> memref<1x8x1x8x128xf32, #tpu.memory_space<hbm>>
        %dma_wait3A_319 = tpu.memref_squeeze %dma_wait3A_318 : memref<1x8x1x8x128xf32, #tpu.memory_space<hbm>> -> memref<8x8x128xf32, #tpu.memory_space<hbm>>
        %dma_wait3A_320 = arith.constant 0 : i32
        %dma_wait3A_321 = arith.constant 0 : i32
        %dma_wait3A_322 = arith.constant 0 : i32
        %dma_wait3A_323 = tpu.memref_slice %arg4[%dma_wait3A_309, %dma_wait3A_320, %dma_wait3A_310, %dma_wait3A_321, %dma_wait3A_322] : memref<50x8x128x8x128xf32, #tpu.memory_space<hbm>> -> memref<1x8x1x8x128xf32, #tpu.memory_space<hbm>>
        %dma_wait3A_324 = tpu.memref_squeeze %dma_wait3A_323 : memref<1x8x1x8x128xf32, #tpu.memory_space<hbm>> -> memref<8x8x128xf32, #tpu.memory_space<hbm>>
        %dma_wait3A_325 = arith.constant 0 : i32
        %dma_wait3A_326 = arith.constant 0 : i32
        %dma_wait3A_327 = arith.constant 0 : i32
        %dma_wait3A_328 = tpu.memref_slice %arg10[%dma_wait3A_325, %dma_wait3A_326, %dma_wait3A_327] : memref<8x8x129xf32, #tpu.memory_space<vmem>> -> memref<8x8x128xf32, #tpu.memory_space<vmem>>
        tpu.wait_dma2 semaphore(%arg16 : memref<!tpu.dma_semaphore, #tpu.memory_space<semaphore_mem>>) src(%dma_wait3A_328 : memref<8x8x128xf32, #tpu.memory_space<vmem>>) dst(%dma_wait3A_324 : memref<8x8x128xf32, #tpu.memory_space<hbm>>)
      } else {
      }
      %parallel_loop3A = arith.constant 0 : i32
      %parallel_loop3A_134 = arith.constant 128 : i32
      %parallel_loop3A_135 = arith.constant 1 : i32
      scf.for %parallel_loop3A_309 = %parallel_loop3A to %parallel_loop3A_134 step %parallel_loop3A_135  : i32 {
        %parallel_loop3A_310 = vector.broadcast %parallel_loop3A_309 : i32 to vector<16xi32>
        %parallel_loop3A_311 = arith.muli %broadcast_in_dim3A_11, %parallel_loop3A_310 : vector<16xi32>
        %parallel_loop3A_312 = arith.index_cast %parallel_loop3A_309 : i32 to index
        %parallel_loop3A_313 = arith.constant 0 : index
        %parallel_loop3A_314 = tpu.vector_load %arg6[%parallel_loop3A_312, %parallel_loop3A_313] {strides = array<i32>} : memref<128x64xf32, #tpu.memory_space<vmem>>, vector<16xf32>,
        tpu.vector_store_idx %arg10[%shift_right_arithmetic3A_16, %and3A_39, %parallel_loop3A_311], %parallel_loop3A_314 : memref<8x8x129xf32, #tpu.memory_space<vmem>>[vector<16xi32>, vector<16xi32>, vector<16xi32>], vector<16xf32>,
        %parallel_loop3A_315 = arith.index_cast %parallel_loop3A_309 : i32 to index
        %parallel_loop3A_316 = arith.constant 16 : index
        %parallel_loop3A_317 = tpu.vector_load %arg6[%parallel_loop3A_315, %parallel_loop3A_316] {strides = array<i32>} : memref<128x64xf32, #tpu.memory_space<vmem>>, vector<16xf32>,
        tpu.vector_store_idx %arg10[%shift_right_arithmetic3A_22, %and3A_45, %parallel_loop3A_311], %parallel_loop3A_317 : memref<8x8x129xf32, #tpu.memory_space<vmem>>[vector<16xi32>, vector<16xi32>, vector<16xi32>], vector<16xf32>,
        %parallel_loop3A_318 = arith.index_cast %parallel_loop3A_309 : i32 to index
        %parallel_loop3A_319 = arith.constant 32 : index
        %parallel_loop3A_320 = tpu.vector_load %arg6[%parallel_loop3A_318, %parallel_loop3A_319] {strides = array<i32>} : memref<128x64xf32, #tpu.memory_space<vmem>>, vector<16xf32>,
        tpu.vector_store_idx %arg10[%shift_right_arithmetic3A_28, %and3A_51, %parallel_loop3A_311], %parallel_loop3A_320 : memref<8x8x129xf32, #tpu.memory_space<vmem>>[vector<16xi32>, vector<16xi32>, vector<16xi32>], vector<16xf32>,
        %parallel_loop3A_321 = arith.index_cast %parallel_loop3A_309 : i32 to index
        %parallel_loop3A_322 = arith.constant 48 : index
        %parallel_loop3A_323 = tpu.vector_load %arg6[%parallel_loop3A_321, %parallel_loop3A_322] {strides = array<i32>} : memref<128x64xf32, #tpu.memory_space<vmem>>, vector<16xf32>,
        tpu.vector_store_idx %arg10[%shift_right_arithmetic3A_34, %and3A_57, %parallel_loop3A_311], %parallel_loop3A_323 : memref<8x8x129xf32, #tpu.memory_space<vmem>>[vector<16xi32>, vector<16xi32>, vector<16xi32>], vector<16xf32>,
      } {sc.loop_unroll_factor = 8 : i64, sc.parallel_access}
      %add3A_136 = arith.constant 4 : i32
      %add3A_137 = arith.addi %add3A_125, %add3A_136 : i32
      %lt3A = arith.constant 200 : i32
      %lt3A_138 = arith.cmpi slt, %add3A_137, %lt3A : i32
      %convert_element_type3A_139 = arith.extui %lt3A_138 : i1 to i32
      %cond3A_140 = arith.constant 0 : i32
      %cond3A_141 = arith.cmpi ne, %convert_element_type3A_139, %cond3A_140 : i32
      scf.if %cond3A_141 {
        %add3A_309 = arith.constant 4 : i32
        %add3A_310 = arith.addi %add3A_125, %add3A_309 : i32
        %mul3A_311 = arith.constant 128 : i32
        %mul3A_312 = arith.muli %add3A_310, %mul3A_311 : i32
        %dma_start3A_313 = tpu.memref_slice %arg5[%mul3A_312] : memref<25600xi32, #tpu.memory_space<vmem>> -> memref<128xi32, #tpu.memory_space<vmem>>
        %dma_start3A_314 = arith.constant 0 : i32
        %dma_start3A_315 = arith.constant 0 : i32
        %dma_start3A_316 = tpu.memref_slice %arg2[%dma_start3A_314, %dma_start3A_315] : memref<1000000x64xf32, #tpu.memory_space<hbm>> -> memref<1000000x64xf32, #tpu.memory_space<hbm>>
        tpu.enqueue_indirect_dma source(%dma_start3A_316 : memref<1000000x64xf32, #tpu.memory_space<hbm>>) target(%arg6 : memref<128x64xf32, #tpu.memory_space<vmem>>) offsets(%dma_start3A_313 : memref<128xi32, #tpu.memory_space<vmem>>) semaphore(%arg12 : memref<!tpu.dma_semaphore, #tpu.memory_space<semaphore_mem>>)
      } else {
      }
      %add3A_142 = arith.addi %mul3A_2, %add3A_125 : i32
      %shift_right_arithmetic3A_143 = arith.constant 7 : i32
      %shift_right_arithmetic3A_144 = arith.shrsi %add3A_142, %shift_right_arithmetic3A_143 : i32
      %and3A_145 = arith.constant 127 : i32
      %and3A_146 = arith.andi %add3A_142, %and3A_145 : i32
      %dma_start3A_147 = arith.constant 0 : i32
      %dma_start3A_148 = arith.constant 0 : i32
      %dma_start3A_149 = arith.constant 0 : i32
      %dma_start3A_150 = tpu.memref_slice %arg10[%dma_start3A_147, %dma_start3A_148, %dma_start3A_149] : memref<8x8x129xf32, #tpu.memory_space<vmem>> -> memref<8x8x128xf32, #tpu.memory_space<vmem>>
      %dma_start3A_151 = arith.constant 0 : i32
      %dma_start3A_152 = arith.constant 0 : i32
      %dma_start3A_153 = arith.constant 0 : i32
      %dma_start3A_154 = tpu.memref_slice %arg4[%shift_right_arithmetic3A_144, %dma_start3A_151, %and3A_146, %dma_start3A_152, %dma_start3A_153] : memref<50x8x128x8x128xf32, #tpu.memory_space<hbm>> -> memref<1x8x1x8x128xf32, #tpu.memory_space<hbm>>
      %dma_start3A_155 = tpu.memref_squeeze %dma_start3A_154 : memref<1x8x1x8x128xf32, #tpu.memory_space<hbm>> -> memref<8x8x128xf32, #tpu.memory_space<hbm>>
      %dma_start3A_156 = arith.constant 0 : i32
      %dma_start3A_157 = arith.constant 0 : i32
      %dma_start3A_158 = arith.constant 0 : i32
      %dma_start3A_159 = tpu.memref_slice %arg4[%shift_right_arithmetic3A_144, %dma_start3A_156, %and3A_146, %dma_start3A_157, %dma_start3A_158] : memref<50x8x128x8x128xf32, #tpu.memory_space<hbm>> -> memref<1x8x1x8x128xf32, #tpu.memory_space<hbm>>
      %dma_start3A_160 = tpu.memref_squeeze %dma_start3A_159 : memref<1x8x1x8x128xf32, #tpu.memory_space<hbm>> -> memref<8x8x128xf32, #tpu.memory_space<hbm>>
      %dma_start3A_161 = arith.constant 0 : i32
      %dma_start3A_162 = arith.constant 0 : i32
      %dma_start3A_163 = arith.constant 0 : i32
      %dma_start3A_164 = tpu.memref_slice %arg10[%dma_start3A_161, %dma_start3A_162, %dma_start3A_163] : memref<8x8x129xf32, #tpu.memory_space<vmem>> -> memref<8x8x128xf32, #tpu.memory_space<vmem>>
      tpu.enqueue_dma source(%dma_start3A_164 : memref<8x8x128xf32, #tpu.memory_space<vmem>>) target(%dma_start3A_160 : memref<8x8x128xf32, #tpu.memory_space<hbm>>) target_semaphore(%arg16 : memref<!tpu.dma_semaphore, #tpu.memory_space<semaphore_mem>>)
      %mul3A_165 = arith.constant 4 : i32
      %mul3A_166 = arith.muli %scan3A_121, %mul3A_165 : i32
      %add3A_167 = arith.constant 1 : i32
      %add3A_168 = arith.addi %mul3A_166, %add3A_167 : i32
      %dma_wait3A_169 = arith.constant 0 : i32
      %dma_wait3A_170 = arith.constant 0 : i32
      %dma_wait3A_171 = tpu.memref_slice %arg2[%dma_wait3A_169, %dma_wait3A_170] : memref<1000000x64xf32, #tpu.memory_space<hbm>> -> memref<128x64xf32, #tpu.memory_space<hbm>>
      %dma_wait3A_172 = arith.constant 0 : i32
      %dma_wait3A_173 = arith.constant 0 : i32
      %dma_wait3A_174 = tpu.memref_slice %arg2[%dma_wait3A_172, %dma_wait3A_173] : memref<1000000x64xf32, #tpu.memory_space<hbm>> -> memref<128x64xf32, #tpu.memory_space<hbm>>
      tpu.wait_dma2 semaphore(%arg13 : memref<!tpu.dma_semaphore, #tpu.memory_space<semaphore_mem>>) src(%dma_wait3A_174 : memref<128x64xf32, #tpu.memory_space<hbm>>) dst(%arg7 : memref<128x64xf32, #tpu.memory_space<vmem>>)
      %ge3A_175 = arith.constant 2 : i32
      %ge3A_176 = arith.cmpi sge, %add3A_168, %ge3A_175 : i32
      %convert_element_type3A_177 = arith.extui %ge3A_176 : i1 to i32
      %cond3A_178 = arith.constant 0 : i32
      %cond3A_179 = arith.cmpi ne, %convert_element_type3A_177, %cond3A_178 : i32
      scf.if %cond3A_179 {
        %dma_wait3A_309 = arith.constant 0 : i32
        %dma_wait3A_310 = arith.constant 0 : i32
        %dma_wait3A_311 = arith.constant 0 : i32
        %dma_wait3A_312 = arith.constant 0 : i32
        %dma_wait3A_313 = arith.constant 0 : i32
        %dma_wait3A_314 = tpu.memref_slice %arg11[%dma_wait3A_311, %dma_wait3A_312, %dma_wait3A_313] : memref<8x8x129xf32, #tpu.memory_space<vmem>> -> memref<8x8x128xf32, #tpu.memory_space<vmem>>
        %dma_wait3A_315 = arith.constant 0 : i32
        %dma_wait3A_316 = arith.constant 0 : i32
        %dma_wait3A_317 = arith.constant 0 : i32
        %dma_wait3A_318 = tpu.memref_slice %arg4[%dma_wait3A_309, %dma_wait3A_315, %dma_wait3A_310, %dma_wait3A_316, %dma_wait3A_317] : memref<50x8x128x8x128xf32, #tpu.memory_space<hbm>> -> memref<1x8x1x8x128xf32, #tpu.memory_space<hbm>>
        %dma_wait3A_319 = tpu.memref_squeeze %dma_wait3A_318 : memref<1x8x1x8x128xf32, #tpu.memory_space<hbm>> -> memref<8x8x128xf32, #tpu.memory_space<hbm>>
        %dma_wait3A_320 = arith.constant 0 : i32
        %dma_wait3A_321 = arith.constant 0 : i32
        %dma_wait3A_322 = arith.constant 0 : i32
        %dma_wait3A_323 = tpu.memref_slice %arg4[%dma_wait3A_309, %dma_wait3A_320, %dma_wait3A_310, %dma_wait3A_321, %dma_wait3A_322] : memref<50x8x128x8x128xf32, #tpu.memory_space<hbm>> -> memref<1x8x1x8x128xf32, #tpu.memory_space<hbm>>
        %dma_wait3A_324 = tpu.memref_squeeze %dma_wait3A_323 : memref<1x8x1x8x128xf32, #tpu.memory_space<hbm>> -> memref<8x8x128xf32, #tpu.memory_space<hbm>>
        %dma_wait3A_325 = arith.constant 0 : i32
        %dma_wait3A_326 = arith.constant 0 : i32
        %dma_wait3A_327 = arith.constant 0 : i32
        %dma_wait3A_328 = tpu.memref_slice %arg11[%dma_wait3A_325, %dma_wait3A_326, %dma_wait3A_327] : memref<8x8x129xf32, #tpu.memory_space<vmem>> -> memref<8x8x128xf32, #tpu.memory_space<vmem>>
        tpu.wait_dma2 semaphore(%arg17 : memref<!tpu.dma_semaphore, #tpu.memory_space<semaphore_mem>>) src(%dma_wait3A_328 : memref<8x8x128xf32, #tpu.memory_space<vmem>>) dst(%dma_wait3A_324 : memref<8x8x128xf32, #tpu.memory_space<hbm>>)
      } else {
      }
      %parallel_loop3A_180 = arith.constant 0 : i32
      %parallel_loop3A_181 = arith.constant 128 : i32
      %parallel_loop3A_182 = arith.constant 1 : i32
      scf.for %parallel_loop3A_309 = %parallel_loop3A_180 to %parallel_loop3A_181 step %parallel_loop3A_182  : i32 {
        %parallel_loop3A_310 = vector.broadcast %parallel_loop3A_309 : i32 to vector<16xi32>
        %parallel_loop3A_311 = arith.muli %broadcast_in_dim3A_11, %parallel_loop3A_310 : vector<16xi32>
        %parallel_loop3A_312 = arith.index_cast %parallel_loop3A_309 : i32 to index
        %parallel_loop3A_313 = arith.constant 0 : index
        %parallel_loop3A_314 = tpu.vector_load %arg7[%parallel_loop3A_312, %parallel_loop3A_313] {strides = array<i32>} : memref<128x64xf32, #tpu.memory_space<vmem>>, vector<16xf32>,
        tpu.vector_store_idx %arg11[%shift_right_arithmetic3A_16, %and3A_39, %parallel_loop3A_311], %parallel_loop3A_314 : memref<8x8x129xf32, #tpu.memory_space<vmem>>[vector<16xi32>, vector<16xi32>, vector<16xi32>], vector<16xf32>,
        %parallel_loop3A_315 = arith.index_cast %parallel_loop3A_309 : i32 to index
        %parallel_loop3A_316 = arith.constant 16 : index
        %parallel_loop3A_317 = tpu.vector_load %arg7[%parallel_loop3A_315, %parallel_loop3A_316] {strides = array<i32>} : memref<128x64xf32, #tpu.memory_space<vmem>>, vector<16xf32>,
        tpu.vector_store_idx %arg11[%shift_right_arithmetic3A_22, %and3A_45, %parallel_loop3A_311], %parallel_loop3A_317 : memref<8x8x129xf32, #tpu.memory_space<vmem>>[vector<16xi32>, vector<16xi32>, vector<16xi32>], vector<16xf32>,
        %parallel_loop3A_318 = arith.index_cast %parallel_loop3A_309 : i32 to index
        %parallel_loop3A_319 = arith.constant 32 : index
        %parallel_loop3A_320 = tpu.vector_load %arg7[%parallel_loop3A_318, %parallel_loop3A_319] {strides = array<i32>} : memref<128x64xf32, #tpu.memory_space<vmem>>, vector<16xf32>,
        tpu.vector_store_idx %arg11[%shift_right_arithmetic3A_28, %and3A_51, %parallel_loop3A_311], %parallel_loop3A_320 : memref<8x8x129xf32, #tpu.memory_space<vmem>>[vector<16xi32>, vector<16xi32>, vector<16xi32>], vector<16xf32>,
        %parallel_loop3A_321 = arith.index_cast %parallel_loop3A_309 : i32 to index
        %parallel_loop3A_322 = arith.constant 48 : index
        %parallel_loop3A_323 = tpu.vector_load %arg7[%parallel_loop3A_321, %parallel_loop3A_322] {strides = array<i32>} : memref<128x64xf32, #tpu.memory_space<vmem>>, vector<16xf32>,
        tpu.vector_store_idx %arg11[%shift_right_arithmetic3A_34, %and3A_57, %parallel_loop3A_311], %parallel_loop3A_323 : memref<8x8x129xf32, #tpu.memory_space<vmem>>[vector<16xi32>, vector<16xi32>, vector<16xi32>], vector<16xf32>,
      } {sc.loop_unroll_factor = 8 : i64, sc.parallel_access}
      %add3A_183 = arith.constant 4 : i32
      %add3A_184 = arith.addi %add3A_168, %add3A_183 : i32
      %lt3A_185 = arith.constant 200 : i32
      %lt3A_186 = arith.cmpi slt, %add3A_184, %lt3A_185 : i32
      %convert_element_type3A_187 = arith.extui %lt3A_186 : i1 to i32
      %cond3A_188 = arith.constant 0 : i32
      %cond3A_189 = arith.cmpi ne, %convert_element_type3A_187, %cond3A_188 : i32
      scf.if %cond3A_189 {
        %add3A_309 = arith.constant 4 : i32
        %add3A_310 = arith.addi %add3A_168, %add3A_309 : i32
        %mul3A_311 = arith.constant 128 : i32
        %mul3A_312 = arith.muli %add3A_310, %mul3A_311 : i32
        %dma_start3A_313 = tpu.memref_slice %arg5[%mul3A_312] : memref<25600xi32, #tpu.memory_space<vmem>> -> memref<128xi32, #tpu.memory_space<vmem>>
        %dma_start3A_314 = arith.constant 0 : i32
        %dma_start3A_315 = arith.constant 0 : i32
        %dma_start3A_316 = tpu.memref_slice %arg2[%dma_start3A_314, %dma_start3A_315] : memref<1000000x64xf32, #tpu.memory_space<hbm>> -> memref<1000000x64xf32, #tpu.memory_space<hbm>>
        tpu.enqueue_indirect_dma source(%dma_start3A_316 : memref<1000000x64xf32, #tpu.memory_space<hbm>>) target(%arg7 : memref<128x64xf32, #tpu.memory_space<vmem>>) offsets(%dma_start3A_313 : memref<128xi32, #tpu.memory_space<vmem>>) semaphore(%arg13 : memref<!tpu.dma_semaphore, #tpu.memory_space<semaphore_mem>>)
      } else {
      }
      %add3A_190 = arith.addi %mul3A_2, %add3A_168 : i32
      %shift_right_arithmetic3A_191 = arith.constant 7 : i32
      %shift_right_arithmetic3A_192 = arith.shrsi %add3A_190, %shift_right_arithmetic3A_191 : i32
      %and3A_193 = arith.constant 127 : i32
      %and3A_194 = arith.andi %add3A_190, %and3A_193 : i32
      %dma_start3A_195 = arith.constant 0 : i32
      %dma_start3A_196 = arith.constant 0 : i32
      %dma_start3A_197 = arith.constant 0 : i32
      %dma_start3A_198 = tpu.memref_slice %arg11[%dma_start3A_195, %dma_start3A_196, %dma_start3A_197] : memref<8x8x129xf32, #tpu.memory_space<vmem>> -> memref<8x8x128xf32, #tpu.memory_space<vmem>>
      %dma_start3A_199 = arith.constant 0 : i32
      %dma_start3A_200 = arith.constant 0 : i32
      %dma_start3A_201 = arith.constant 0 : i32
      %dma_start3A_202 = tpu.memref_slice %arg4[%shift_right_arithmetic3A_192, %dma_start3A_199, %and3A_194, %dma_start3A_200, %dma_start3A_201] : memref<50x8x128x8x128xf32, #tpu.memory_space<hbm>> -> memref<1x8x1x8x128xf32, #tpu.memory_space<hbm>>
      %dma_start3A_203 = tpu.memref_squeeze %dma_start3A_202 : memref<1x8x1x8x128xf32, #tpu.memory_space<hbm>> -> memref<8x8x128xf32, #tpu.memory_space<hbm>>
      %dma_start3A_204 = arith.constant 0 : i32
      %dma_start3A_205 = arith.constant 0 : i32
      %dma_start3A_206 = arith.constant 0 : i32
      %dma_start3A_207 = tpu.memref_slice %arg4[%shift_right_arithmetic3A_192, %dma_start3A_204, %and3A_194, %dma_start3A_205, %dma_start3A_206] : memref<50x8x128x8x128xf32, #tpu.memory_space<hbm>> -> memref<1x8x1x8x128xf32, #tpu.memory_space<hbm>>
      %dma_start3A_208 = tpu.memref_squeeze %dma_start3A_207 : memref<1x8x1x8x128xf32, #tpu.memory_space<hbm>> -> memref<8x8x128xf32, #tpu.memory_space<hbm>>
      %dma_start3A_209 = arith.constant 0 : i32
      %dma_start3A_210 = arith.constant 0 : i32
      %dma_start3A_211 = arith.constant 0 : i32
      %dma_start3A_212 = tpu.memref_slice %arg11[%dma_start3A_209, %dma_start3A_210, %dma_start3A_211] : memref<8x8x129xf32, #tpu.memory_space<vmem>> -> memref<8x8x128xf32, #tpu.memory_space<vmem>>
      tpu.enqueue_dma source(%dma_start3A_212 : memref<8x8x128xf32, #tpu.memory_space<vmem>>) target(%dma_start3A_208 : memref<8x8x128xf32, #tpu.memory_space<hbm>>) target_semaphore(%arg17 : memref<!tpu.dma_semaphore, #tpu.memory_space<semaphore_mem>>)
      %mul3A_213 = arith.constant 4 : i32
      %mul3A_214 = arith.muli %scan3A_121, %mul3A_213 : i32
      %add3A_215 = arith.constant 2 : i32
      %add3A_216 = arith.addi %mul3A_214, %add3A_215 : i32
      %dma_wait3A_217 = arith.constant 0 : i32
      %dma_wait3A_218 = arith.constant 0 : i32
      %dma_wait3A_219 = tpu.memref_slice %arg2[%dma_wait3A_217, %dma_wait3A_218] : memref<1000000x64xf32, #tpu.memory_space<hbm>> -> memref<128x64xf32, #tpu.memory_space<hbm>>
      %dma_wait3A_220 = arith.constant 0 : i32
      %dma_wait3A_221 = arith.constant 0 : i32
      %dma_wait3A_222 = tpu.memref_slice %arg2[%dma_wait3A_220, %dma_wait3A_221] : memref<1000000x64xf32, #tpu.memory_space<hbm>> -> memref<128x64xf32, #tpu.memory_space<hbm>>
      tpu.wait_dma2 semaphore(%arg14 : memref<!tpu.dma_semaphore, #tpu.memory_space<semaphore_mem>>) src(%dma_wait3A_222 : memref<128x64xf32, #tpu.memory_space<hbm>>) dst(%arg8 : memref<128x64xf32, #tpu.memory_space<vmem>>)
      %ge3A_223 = arith.constant 2 : i32
      %ge3A_224 = arith.cmpi sge, %add3A_216, %ge3A_223 : i32
      %convert_element_type3A_225 = arith.extui %ge3A_224 : i1 to i32
      %cond3A_226 = arith.constant 0 : i32
      %cond3A_227 = arith.cmpi ne, %convert_element_type3A_225, %cond3A_226 : i32
      scf.if %cond3A_227 {
        %dma_wait3A_309 = arith.constant 0 : i32
        %dma_wait3A_310 = arith.constant 0 : i32
        %dma_wait3A_311 = arith.constant 0 : i32
        %dma_wait3A_312 = arith.constant 0 : i32
        %dma_wait3A_313 = arith.constant 0 : i32
        %dma_wait3A_314 = tpu.memref_slice %arg10[%dma_wait3A_311, %dma_wait3A_312, %dma_wait3A_313] : memref<8x8x129xf32, #tpu.memory_space<vmem>> -> memref<8x8x128xf32, #tpu.memory_space<vmem>>
        %dma_wait3A_315 = arith.constant 0 : i32
        %dma_wait3A_316 = arith.constant 0 : i32
        %dma_wait3A_317 = arith.constant 0 : i32
        %dma_wait3A_318 = tpu.memref_slice %arg4[%dma_wait3A_309, %dma_wait3A_315, %dma_wait3A_310, %dma_wait3A_316, %dma_wait3A_317] : memref<50x8x128x8x128xf32, #tpu.memory_space<hbm>> -> memref<1x8x1x8x128xf32, #tpu.memory_space<hbm>>
        %dma_wait3A_319 = tpu.memref_squeeze %dma_wait3A_318 : memref<1x8x1x8x128xf32, #tpu.memory_space<hbm>> -> memref<8x8x128xf32, #tpu.memory_space<hbm>>
        %dma_wait3A_320 = arith.constant 0 : i32
        %dma_wait3A_321 = arith.constant 0 : i32
        %dma_wait3A_322 = arith.constant 0 : i32
        %dma_wait3A_323 = tpu.memref_slice %arg4[%dma_wait3A_309, %dma_wait3A_320, %dma_wait3A_310, %dma_wait3A_321, %dma_wait3A_322] : memref<50x8x128x8x128xf32, #tpu.memory_space<hbm>> -> memref<1x8x1x8x128xf32, #tpu.memory_space<hbm>>
        %dma_wait3A_324 = tpu.memref_squeeze %dma_wait3A_323 : memref<1x8x1x8x128xf32, #tpu.memory_space<hbm>> -> memref<8x8x128xf32, #tpu.memory_space<hbm>>
        %dma_wait3A_325 = arith.constant 0 : i32
        %dma_wait3A_326 = arith.constant 0 : i32
        %dma_wait3A_327 = arith.constant 0 : i32
        %dma_wait3A_328 = tpu.memref_slice %arg10[%dma_wait3A_325, %dma_wait3A_326, %dma_wait3A_327] : memref<8x8x129xf32, #tpu.memory_space<vmem>> -> memref<8x8x128xf32, #tpu.memory_space<vmem>>
        tpu.wait_dma2 semaphore(%arg16 : memref<!tpu.dma_semaphore, #tpu.memory_space<semaphore_mem>>) src(%dma_wait3A_328 : memref<8x8x128xf32, #tpu.memory_space<vmem>>) dst(%dma_wait3A_324 : memref<8x8x128xf32, #tpu.memory_space<hbm>>)
      } else {
      }
      %parallel_loop3A_228 = arith.constant 0 : i32
      %parallel_loop3A_229 = arith.constant 128 : i32
      %parallel_loop3A_230 = arith.constant 1 : i32
      scf.for %parallel_loop3A_309 = %parallel_loop3A_228 to %parallel_loop3A_229 step %parallel_loop3A_230  : i32 {
        %parallel_loop3A_310 = vector.broadcast %parallel_loop3A_309 : i32 to vector<16xi32>
        %parallel_loop3A_311 = arith.muli %broadcast_in_dim3A_11, %parallel_loop3A_310 : vector<16xi32>
        %parallel_loop3A_312 = arith.index_cast %parallel_loop3A_309 : i32 to index
        %parallel_loop3A_313 = arith.constant 0 : index
        %parallel_loop3A_314 = tpu.vector_load %arg8[%parallel_loop3A_312, %parallel_loop3A_313] {strides = array<i32>} : memref<128x64xf32, #tpu.memory_space<vmem>>, vector<16xf32>,
        tpu.vector_store_idx %arg10[%shift_right_arithmetic3A_16, %and3A_39, %parallel_loop3A_311], %parallel_loop3A_314 : memref<8x8x129xf32, #tpu.memory_space<vmem>>[vector<16xi32>, vector<16xi32>, vector<16xi32>], vector<16xf32>,
        %parallel_loop3A_315 = arith.index_cast %parallel_loop3A_309 : i32 to index
        %parallel_loop3A_316 = arith.constant 16 : index
        %parallel_loop3A_317 = tpu.vector_load %arg8[%parallel_loop3A_315, %parallel_loop3A_316] {strides = array<i32>} : memref<128x64xf32, #tpu.memory_space<vmem>>, vector<16xf32>,
        tpu.vector_store_idx %arg10[%shift_right_arithmetic3A_22, %and3A_45, %parallel_loop3A_311], %parallel_loop3A_317 : memref<8x8x129xf32, #tpu.memory_space<vmem>>[vector<16xi32>, vector<16xi32>, vector<16xi32>], vector<16xf32>,
        %parallel_loop3A_318 = arith.index_cast %parallel_loop3A_309 : i32 to index
        %parallel_loop3A_319 = arith.constant 32 : index
        %parallel_loop3A_320 = tpu.vector_load %arg8[%parallel_loop3A_318, %parallel_loop3A_319] {strides = array<i32>} : memref<128x64xf32, #tpu.memory_space<vmem>>, vector<16xf32>,
        tpu.vector_store_idx %arg10[%shift_right_arithmetic3A_28, %and3A_51, %parallel_loop3A_311], %parallel_loop3A_320 : memref<8x8x129xf32, #tpu.memory_space<vmem>>[vector<16xi32>, vector<16xi32>, vector<16xi32>], vector<16xf32>,
        %parallel_loop3A_321 = arith.index_cast %parallel_loop3A_309 : i32 to index
        %parallel_loop3A_322 = arith.constant 48 : index
        %parallel_loop3A_323 = tpu.vector_load %arg8[%parallel_loop3A_321, %parallel_loop3A_322] {strides = array<i32>} : memref<128x64xf32, #tpu.memory_space<vmem>>, vector<16xf32>,
        tpu.vector_store_idx %arg10[%shift_right_arithmetic3A_34, %and3A_57, %parallel_loop3A_311], %parallel_loop3A_323 : memref<8x8x129xf32, #tpu.memory_space<vmem>>[vector<16xi32>, vector<16xi32>, vector<16xi32>], vector<16xf32>,
      } {sc.loop_unroll_factor = 8 : i64, sc.parallel_access}
      %add3A_231 = arith.constant 4 : i32
      %add3A_232 = arith.addi %add3A_216, %add3A_231 : i32
      %lt3A_233 = arith.constant 200 : i32
      %lt3A_234 = arith.cmpi slt, %add3A_232, %lt3A_233 : i32
      %convert_element_type3A_235 = arith.extui %lt3A_234 : i1 to i32
      %cond3A_236 = arith.constant 0 : i32
      %cond3A_237 = arith.cmpi ne, %convert_element_type3A_235, %cond3A_236 : i32
      scf.if %cond3A_237 {
        %add3A_309 = arith.constant 4 : i32
        %add3A_310 = arith.addi %add3A_216, %add3A_309 : i32
        %mul3A_311 = arith.constant 128 : i32
        %mul3A_312 = arith.muli %add3A_310, %mul3A_311 : i32
        %dma_start3A_313 = tpu.memref_slice %arg5[%mul3A_312] : memref<25600xi32, #tpu.memory_space<vmem>> -> memref<128xi32, #tpu.memory_space<vmem>>
        %dma_start3A_314 = arith.constant 0 : i32
        %dma_start3A_315 = arith.constant 0 : i32
        %dma_start3A_316 = tpu.memref_slice %arg2[%dma_start3A_314, %dma_start3A_315] : memref<1000000x64xf32, #tpu.memory_space<hbm>> -> memref<1000000x64xf32, #tpu.memory_space<hbm>>
        tpu.enqueue_indirect_dma source(%dma_start3A_316 : memref<1000000x64xf32, #tpu.memory_space<hbm>>) target(%arg8 : memref<128x64xf32, #tpu.memory_space<vmem>>) offsets(%dma_start3A_313 : memref<128xi32, #tpu.memory_space<vmem>>) semaphore(%arg14 : memref<!tpu.dma_semaphore, #tpu.memory_space<semaphore_mem>>)
      } else {
      }
      %add3A_238 = arith.addi %mul3A_2, %add3A_216 : i32
      %shift_right_arithmetic3A_239 = arith.constant 7 : i32
      %shift_right_arithmetic3A_240 = arith.shrsi %add3A_238, %shift_right_arithmetic3A_239 : i32
      %and3A_241 = arith.constant 127 : i32
      %and3A_242 = arith.andi %add3A_238, %and3A_241 : i32
      %dma_start3A_243 = arith.constant 0 : i32
      %dma_start3A_244 = arith.constant 0 : i32
      %dma_start3A_245 = arith.constant 0 : i32
      %dma_start3A_246 = tpu.memref_slice %arg10[%dma_start3A_243, %dma_start3A_244, %dma_start3A_245] : memref<8x8x129xf32, #tpu.memory_space<vmem>> -> memref<8x8x128xf32, #tpu.memory_space<vmem>>
      %dma_start3A_247 = arith.constant 0 : i32
      %dma_start3A_248 = arith.constant 0 : i32
      %dma_start3A_249 = arith.constant 0 : i32
      %dma_start3A_250 = tpu.memref_slice %arg4[%shift_right_arithmetic3A_240, %dma_start3A_247, %and3A_242, %dma_start3A_248, %dma_start3A_249] : memref<50x8x128x8x128xf32, #tpu.memory_space<hbm>> -> memref<1x8x1x8x128xf32, #tpu.memory_space<hbm>>
      %dma_start3A_251 = tpu.memref_squeeze %dma_start3A_250 : memref<1x8x1x8x128xf32, #tpu.memory_space<hbm>> -> memref<8x8x128xf32, #tpu.memory_space<hbm>>
      %dma_start3A_252 = arith.constant 0 : i32
      %dma_start3A_253 = arith.constant 0 : i32
      %dma_start3A_254 = arith.constant 0 : i32
      %dma_start3A_255 = tpu.memref_slice %arg4[%shift_right_arithmetic3A_240, %dma_start3A_252, %and3A_242, %dma_start3A_253, %dma_start3A_254] : memref<50x8x128x8x128xf32, #tpu.memory_space<hbm>> -> memref<1x8x1x8x128xf32, #tpu.memory_space<hbm>>
      %dma_start3A_256 = tpu.memref_squeeze %dma_start3A_255 : memref<1x8x1x8x128xf32, #tpu.memory_space<hbm>> -> memref<8x8x128xf32, #tpu.memory_space<hbm>>
      %dma_start3A_257 = arith.constant 0 : i32
      %dma_start3A_258 = arith.constant 0 : i32
      %dma_start3A_259 = arith.constant 0 : i32
      %dma_start3A_260 = tpu.memref_slice %arg10[%dma_start3A_257, %dma_start3A_258, %dma_start3A_259] : memref<8x8x129xf32, #tpu.memory_space<vmem>> -> memref<8x8x128xf32, #tpu.memory_space<vmem>>
      tpu.enqueue_dma source(%dma_start3A_260 : memref<8x8x128xf32, #tpu.memory_space<vmem>>) target(%dma_start3A_256 : memref<8x8x128xf32, #tpu.memory_space<hbm>>) target_semaphore(%arg16 : memref<!tpu.dma_semaphore, #tpu.memory_space<semaphore_mem>>)
      %mul3A_261 = arith.constant 4 : i32
      %mul3A_262 = arith.muli %scan3A_121, %mul3A_261 : i32
      %add3A_263 = arith.constant 3 : i32
      %add3A_264 = arith.addi %mul3A_262, %add3A_263 : i32
      %dma_wait3A_265 = arith.constant 0 : i32
      %dma_wait3A_266 = arith.constant 0 : i32
      %dma_wait3A_267 = tpu.memref_slice %arg2[%dma_wait3A_265, %dma_wait3A_266] : memref<1000000x64xf32, #tpu.memory_space<hbm>> -> memref<128x64xf32, #tpu.memory_space<hbm>>
      %dma_wait3A_268 = arith.constant 0 : i32
      %dma_wait3A_269 = arith.constant 0 : i32
      %dma_wait3A_270 = tpu.memref_slice %arg2[%dma_wait3A_268, %dma_wait3A_269] : memref<1000000x64xf32, #tpu.memory_space<hbm>> -> memref<128x64xf32, #tpu.memory_space<hbm>>
      tpu.wait_dma2 semaphore(%arg15 : memref<!tpu.dma_semaphore, #tpu.memory_space<semaphore_mem>>) src(%dma_wait3A_270 : memref<128x64xf32, #tpu.memory_space<hbm>>) dst(%arg9 : memref<128x64xf32, #tpu.memory_space<vmem>>)
      %ge3A_271 = arith.constant 2 : i32
      %ge3A_272 = arith.cmpi sge, %add3A_264, %ge3A_271 : i32
      %convert_element_type3A_273 = arith.extui %ge3A_272 : i1 to i32
      %cond3A_274 = arith.constant 0 : i32
      %cond3A_275 = arith.cmpi ne, %convert_element_type3A_273, %cond3A_274 : i32
      scf.if %cond3A_275 {
        %dma_wait3A_309 = arith.constant 0 : i32
        %dma_wait3A_310 = arith.constant 0 : i32
        %dma_wait3A_311 = arith.constant 0 : i32
        %dma_wait3A_312 = arith.constant 0 : i32
        %dma_wait3A_313 = arith.constant 0 : i32
        %dma_wait3A_314 = tpu.memref_slice %arg11[%dma_wait3A_311, %dma_wait3A_312, %dma_wait3A_313] : memref<8x8x129xf32, #tpu.memory_space<vmem>> -> memref<8x8x128xf32, #tpu.memory_space<vmem>>
        %dma_wait3A_315 = arith.constant 0 : i32
        %dma_wait3A_316 = arith.constant 0 : i32
        %dma_wait3A_317 = arith.constant 0 : i32
        %dma_wait3A_318 = tpu.memref_slice %arg4[%dma_wait3A_309, %dma_wait3A_315, %dma_wait3A_310, %dma_wait3A_316, %dma_wait3A_317] : memref<50x8x128x8x128xf32, #tpu.memory_space<hbm>> -> memref<1x8x1x8x128xf32, #tpu.memory_space<hbm>>
        %dma_wait3A_319 = tpu.memref_squeeze %dma_wait3A_318 : memref<1x8x1x8x128xf32, #tpu.memory_space<hbm>> -> memref<8x8x128xf32, #tpu.memory_space<hbm>>
        %dma_wait3A_320 = arith.constant 0 : i32
        %dma_wait3A_321 = arith.constant 0 : i32
        %dma_wait3A_322 = arith.constant 0 : i32
        %dma_wait3A_323 = tpu.memref_slice %arg4[%dma_wait3A_309, %dma_wait3A_320, %dma_wait3A_310, %dma_wait3A_321, %dma_wait3A_322] : memref<50x8x128x8x128xf32, #tpu.memory_space<hbm>> -> memref<1x8x1x8x128xf32, #tpu.memory_space<hbm>>
        %dma_wait3A_324 = tpu.memref_squeeze %dma_wait3A_323 : memref<1x8x1x8x128xf32, #tpu.memory_space<hbm>> -> memref<8x8x128xf32, #tpu.memory_space<hbm>>
        %dma_wait3A_325 = arith.constant 0 : i32
        %dma_wait3A_326 = arith.constant 0 : i32
        %dma_wait3A_327 = arith.constant 0 : i32
        %dma_wait3A_328 = tpu.memref_slice %arg11[%dma_wait3A_325, %dma_wait3A_326, %dma_wait3A_327] : memref<8x8x129xf32, #tpu.memory_space<vmem>> -> memref<8x8x128xf32, #tpu.memory_space<vmem>>
        tpu.wait_dma2 semaphore(%arg17 : memref<!tpu.dma_semaphore, #tpu.memory_space<semaphore_mem>>) src(%dma_wait3A_328 : memref<8x8x128xf32, #tpu.memory_space<vmem>>) dst(%dma_wait3A_324 : memref<8x8x128xf32, #tpu.memory_space<hbm>>)
      } else {
      }
      %parallel_loop3A_276 = arith.constant 0 : i32
      %parallel_loop3A_277 = arith.constant 128 : i32
      %parallel_loop3A_278 = arith.constant 1 : i32
      scf.for %parallel_loop3A_309 = %parallel_loop3A_276 to %parallel_loop3A_277 step %parallel_loop3A_278  : i32 {
        %parallel_loop3A_310 = vector.broadcast %parallel_loop3A_309 : i32 to vector<16xi32>
        %parallel_loop3A_311 = arith.muli %broadcast_in_dim3A_11, %parallel_loop3A_310 : vector<16xi32>
        %parallel_loop3A_312 = arith.index_cast %parallel_loop3A_309 : i32 to index
        %parallel_loop3A_313 = arith.constant 0 : index
        %parallel_loop3A_314 = tpu.vector_load %arg9[%parallel_loop3A_312, %parallel_loop3A_313] {strides = array<i32>} : memref<128x64xf32, #tpu.memory_space<vmem>>, vector<16xf32>,
        tpu.vector_store_idx %arg11[%shift_right_arithmetic3A_16, %and3A_39, %parallel_loop3A_311], %parallel_loop3A_314 : memref<8x8x129xf32, #tpu.memory_space<vmem>>[vector<16xi32>, vector<16xi32>, vector<16xi32>], vector<16xf32>,
        %parallel_loop3A_315 = arith.index_cast %parallel_loop3A_309 : i32 to index
        %parallel_loop3A_316 = arith.constant 16 : index
        %parallel_loop3A_317 = tpu.vector_load %arg9[%parallel_loop3A_315, %parallel_loop3A_316] {strides = array<i32>} : memref<128x64xf32, #tpu.memory_space<vmem>>, vector<16xf32>,
        tpu.vector_store_idx %arg11[%shift_right_arithmetic3A_22, %and3A_45, %parallel_loop3A_311], %parallel_loop3A_317 : memref<8x8x129xf32, #tpu.memory_space<vmem>>[vector<16xi32>, vector<16xi32>, vector<16xi32>], vector<16xf32>,
        %parallel_loop3A_318 = arith.index_cast %parallel_loop3A_309 : i32 to index
        %parallel_loop3A_319 = arith.constant 32 : index
        %parallel_loop3A_320 = tpu.vector_load %arg9[%parallel_loop3A_318, %parallel_loop3A_319] {strides = array<i32>} : memref<128x64xf32, #tpu.memory_space<vmem>>, vector<16xf32>,
        tpu.vector_store_idx %arg11[%shift_right_arithmetic3A_28, %and3A_51, %parallel_loop3A_311], %parallel_loop3A_320 : memref<8x8x129xf32, #tpu.memory_space<vmem>>[vector<16xi32>, vector<16xi32>, vector<16xi32>], vector<16xf32>,
        %parallel_loop3A_321 = arith.index_cast %parallel_loop3A_309 : i32 to index
        %parallel_loop3A_322 = arith.constant 48 : index
        %parallel_loop3A_323 = tpu.vector_load %arg9[%parallel_loop3A_321, %parallel_loop3A_322] {strides = array<i32>} : memref<128x64xf32, #tpu.memory_space<vmem>>, vector<16xf32>,
        tpu.vector_store_idx %arg11[%shift_right_arithmetic3A_34, %and3A_57, %parallel_loop3A_311], %parallel_loop3A_323 : memref<8x8x129xf32, #tpu.memory_space<vmem>>[vector<16xi32>, vector<16xi32>, vector<16xi32>], vector<16xf32>,
      } {sc.loop_unroll_factor = 8 : i64, sc.parallel_access}
      %add3A_279 = arith.constant 4 : i32
      %add3A_280 = arith.addi %add3A_264, %add3A_279 : i32
      %lt3A_281 = arith.constant 200 : i32
      %lt3A_282 = arith.cmpi slt, %add3A_280, %lt3A_281 : i32
      %convert_element_type3A_283 = arith.extui %lt3A_282 : i1 to i32
      %cond3A_284 = arith.constant 0 : i32
      %cond3A_285 = arith.cmpi ne, %convert_element_type3A_283, %cond3A_284 : i32
      scf.if %cond3A_285 {
        %add3A_309 = arith.constant 4 : i32
        %add3A_310 = arith.addi %add3A_264, %add3A_309 : i32
        %mul3A_311 = arith.constant 128 : i32
        %mul3A_312 = arith.muli %add3A_310, %mul3A_311 : i32
        %dma_start3A_313 = tpu.memref_slice %arg5[%mul3A_312] : memref<25600xi32, #tpu.memory_space<vmem>> -> memref<128xi32, #tpu.memory_space<vmem>>
        %dma_start3A_314 = arith.constant 0 : i32
        %dma_start3A_315 = arith.constant 0 : i32
        %dma_start3A_316 = tpu.memref_slice %arg2[%dma_start3A_314, %dma_start3A_315] : memref<1000000x64xf32, #tpu.memory_space<hbm>> -> memref<1000000x64xf32, #tpu.memory_space<hbm>>
        tpu.enqueue_indirect_dma source(%dma_start3A_316 : memref<1000000x64xf32, #tpu.memory_space<hbm>>) target(%arg9 : memref<128x64xf32, #tpu.memory_space<vmem>>) offsets(%dma_start3A_313 : memref<128xi32, #tpu.memory_space<vmem>>) semaphore(%arg15 : memref<!tpu.dma_semaphore, #tpu.memory_space<semaphore_mem>>)
      } else {
      }
      %add3A_286 = arith.addi %mul3A_2, %add3A_264 : i32
      %shift_right_arithmetic3A_287 = arith.constant 7 : i32
      %shift_right_arithmetic3A_288 = arith.shrsi %add3A_286, %shift_right_arithmetic3A_287 : i32
      %and3A_289 = arith.constant 127 : i32
      %and3A_290 = arith.andi %add3A_286, %and3A_289 : i32
      %dma_start3A_291 = arith.constant 0 : i32
      %dma_start3A_292 = arith.constant 0 : i32
      %dma_start3A_293 = arith.constant 0 : i32
      %dma_start3A_294 = tpu.memref_slice %arg11[%dma_start3A_291, %dma_start3A_292, %dma_start3A_293] : memref<8x8x129xf32, #tpu.memory_space<vmem>> -> memref<8x8x128xf32, #tpu.memory_space<vmem>>
      %dma_start3A_295 = arith.constant 0 : i32
      %dma_start3A_296 = arith.constant 0 : i32
      %dma_start3A_297 = arith.constant 0 : i32
      %dma_start3A_298 = tpu.memref_slice %arg4[%shift_right_arithmetic3A_288, %dma_start3A_295, %and3A_290, %dma_start3A_296, %dma_start3A_297] : memref<50x8x128x8x128xf32, #tpu.memory_space<hbm>> -> memref<1x8x1x8x128xf32, #tpu.memory_space<hbm>>
      %dma_start3A_299 = tpu.memref_squeeze %dma_start3A_298 : memref<1x8x1x8x128xf32, #tpu.memory_space<hbm>> -> memref<8x8x128xf32, #tpu.memory_space<hbm>>
      %dma_start3A_300 = arith.constant 0 : i32
      %dma_start3A_301 = arith.constant 0 : i32
      %dma_start3A_302 = arith.constant 0 : i32
      %dma_start3A_303 = tpu.memref_slice %arg4[%shift_right_arithmetic3A_288, %dma_start3A_300, %and3A_290, %dma_start3A_301, %dma_start3A_302] : memref<50x8x128x8x128xf32, #tpu.memory_space<hbm>> -> memref<1x8x1x8x128xf32, #tpu.memory_space<hbm>>
      %dma_start3A_304 = tpu.memref_squeeze %dma_start3A_303 : memref<1x8x1x8x128xf32, #tpu.memory_space<hbm>> -> memref<8x8x128xf32, #tpu.memory_space<hbm>>
      %dma_start3A_305 = arith.constant 0 : i32
      %dma_start3A_306 = arith.constant 0 : i32
      %dma_start3A_307 = arith.constant 0 : i32
      %dma_start3A_308 = tpu.memref_slice %arg11[%dma_start3A_305, %dma_start3A_306, %dma_start3A_307] : memref<8x8x129xf32, #tpu.memory_space<vmem>> -> memref<8x8x128xf32, #tpu.memory_space<vmem>>
      tpu.enqueue_dma source(%dma_start3A_308 : memref<8x8x128xf32, #tpu.memory_space<vmem>>) target(%dma_start3A_304 : memref<8x8x128xf32, #tpu.memory_space<hbm>>) target_semaphore(%arg17 : memref<!tpu.dma_semaphore, #tpu.memory_space<semaphore_mem>>)
    }
    %scan3A_81 = arith.constant 50 : i32
    %dma_wait3A = arith.constant 0 : i32
    %dma_wait3A_82 = arith.constant 0 : i32
    %dma_wait3A_83 = arith.constant 0 : i32
    %dma_wait3A_84 = arith.constant 0 : i32
    %dma_wait3A_85 = arith.constant 0 : i32
    %dma_wait3A_86 = tpu.memref_slice %arg10[%dma_wait3A_83, %dma_wait3A_84, %dma_wait3A_85] : memref<8x8x129xf32, #tpu.memory_space<vmem>> -> memref<8x8x128xf32, #tpu.memory_space<vmem>>
    %dma_wait3A_87 = arith.constant 0 : i32
    %dma_wait3A_88 = arith.constant 0 : i32
    %dma_wait3A_89 = arith.constant 0 : i32
    %dma_wait3A_90 = tpu.memref_slice %arg4[%dma_wait3A, %dma_wait3A_87, %dma_wait3A_82, %dma_wait3A_88, %dma_wait3A_89] : memref<50x8x128x8x128xf32, #tpu.memory_space<hbm>> -> memref<1x8x1x8x128xf32, #tpu.memory_space<hbm>>
    %dma_wait3A_91 = tpu.memref_squeeze %dma_wait3A_90 : memref<1x8x1x8x128xf32, #tpu.memory_space<hbm>> -> memref<8x8x128xf32, #tpu.memory_space<hbm>>
    %dma_wait3A_92 = arith.constant 0 : i32
    %dma_wait3A_93 = arith.constant 0 : i32
    %dma_wait3A_94 = arith.constant 0 : i32
    %dma_wait3A_95 = tpu.memref_slice %arg4[%dma_wait3A, %dma_wait3A_92, %dma_wait3A_82, %dma_wait3A_93, %dma_wait3A_94] : memref<50x8x128x8x128xf32, #tpu.memory_space<hbm>> -> memref<1x8x1x8x128xf32, #tpu.memory_space<hbm>>
    %dma_wait3A_96 = tpu.memref_squeeze %dma_wait3A_95 : memref<1x8x1x8x128xf32, #tpu.memory_space<hbm>> -> memref<8x8x128xf32, #tpu.memory_space<hbm>>
    %dma_wait3A_97 = arith.constant 0 : i32
    %dma_wait3A_98 = arith.constant 0 : i32
    %dma_wait3A_99 = arith.constant 0 : i32
    %dma_wait3A_100 = tpu.memref_slice %arg10[%dma_wait3A_97, %dma_wait3A_98, %dma_wait3A_99] : memref<8x8x129xf32, #tpu.memory_space<vmem>> -> memref<8x8x128xf32, #tpu.memory_space<vmem>>
    tpu.wait_dma2 semaphore(%arg16 : memref<!tpu.dma_semaphore, #tpu.memory_space<semaphore_mem>>) src(%dma_wait3A_100 : memref<8x8x128xf32, #tpu.memory_space<vmem>>) dst(%dma_wait3A_96 : memref<8x8x128xf32, #tpu.memory_space<hbm>>)
    %dma_wait3A_101 = arith.constant 0 : i32
    %dma_wait3A_102 = arith.constant 0 : i32
    %dma_wait3A_103 = arith.constant 0 : i32
    %dma_wait3A_104 = arith.constant 0 : i32
    %dma_wait3A_105 = arith.constant 0 : i32
    %dma_wait3A_106 = tpu.memref_slice %arg11[%dma_wait3A_103, %dma_wait3A_104, %dma_wait3A_105] : memref<8x8x129xf32, #tpu.memory_space<vmem>> -> memref<8x8x128xf32, #tpu.memory_space<vmem>>
    %dma_wait3A_107 = arith.constant 0 : i32
    %dma_wait3A_108 = arith.constant 0 : i32
    %dma_wait3A_109 = arith.constant 0 : i32
    %dma_wait3A_110 = tpu.memref_slice %arg4[%dma_wait3A_101, %dma_wait3A_107, %dma_wait3A_102, %dma_wait3A_108, %dma_wait3A_109] : memref<50x8x128x8x128xf32, #tpu.memory_space<hbm>> -> memref<1x8x1x8x128xf32, #tpu.memory_space<hbm>>
    %dma_wait3A_111 = tpu.memref_squeeze %dma_wait3A_110 : memref<1x8x1x8x128xf32, #tpu.memory_space<hbm>> -> memref<8x8x128xf32, #tpu.memory_space<hbm>>
    %dma_wait3A_112 = arith.constant 0 : i32
    %dma_wait3A_113 = arith.constant 0 : i32
    %dma_wait3A_114 = arith.constant 0 : i32
    %dma_wait3A_115 = tpu.memref_slice %arg4[%dma_wait3A_101, %dma_wait3A_112, %dma_wait3A_102, %dma_wait3A_113, %dma_wait3A_114] : memref<50x8x128x8x128xf32, #tpu.memory_space<hbm>> -> memref<1x8x1x8x128xf32, #tpu.memory_space<hbm>>
    %dma_wait3A_116 = tpu.memref_squeeze %dma_wait3A_115 : memref<1x8x1x8x128xf32, #tpu.memory_space<hbm>> -> memref<8x8x128xf32, #tpu.memory_space<hbm>>
    %dma_wait3A_117 = arith.constant 0 : i32
    %dma_wait3A_118 = arith.constant 0 : i32
    %dma_wait3A_119 = arith.constant 0 : i32
    %dma_wait3A_120 = tpu.memref_slice %arg11[%dma_wait3A_117, %dma_wait3A_118, %dma_wait3A_119] : memref<8x8x129xf32, #tpu.memory_space<vmem>> -> memref<8x8x128xf32, #tpu.memory_space<vmem>>
    tpu.wait_dma2 semaphore(%arg17 : memref<!tpu.dma_semaphore, #tpu.memory_space<semaphore_mem>>) src(%dma_wait3A_120 : memref<8x8x128xf32, #tpu.memory_space<vmem>>) dst(%dma_wait3A_116 : memref<8x8x128xf32, #tpu.memory_space<hbm>>)
    return
  }
}

</mosaic_0001>

<sc_bundles>
// kernel: _sc_embed.3.cloned.1.call-start
scs
__scs_entry_jumppad:
0x0: {  	(pc) =	sbr.rel $0x88, $3  }
0x1: {  	(tag) =	ssettag $0x0;
	lr =	simm.s32 $0x1  }
0x2: {  	[smem:$0x3F9F] =	sst lr;
	_ =	strace $0xD0000000  }
0x3: {  	_ = 	snop  }
0x4: {  	_ = 	snop  }
0x5: {  	_ = 	snop  }
0x6: {  	_ = 	snop  }
0x7: {  	_ = 	snop  }
__scs_overlays_trampoline_lowered:
0x8: {  	[smem:$0x3FAE] =	sst s0  }
0x9: {  	[smem:$0x3FAF] =	sst s1  }
0xa: {  	[smem:$0x3FB0] =	sst s2  }
0xb: {  	[smem:$0x3FB1] =	sst s3  }
0xc: {  	[smem:$0x3FB2] =	sst s4  }
0xd: {  	[smem:$0x3FB3] =	sst s5  }
0xe: {  	[smem:$0x3FB4] =	sst s6  }
0xf: {  	[smem:$0x3FB5] =	sst s7  }
0x10: {  	[smem:$0x3FB6] =	sst s8  }
0x11: {  	[smem:$0x3FB7] =	sst s9;
	s0 =	simm.s32 @!p0 $0x0  }
0x12: {  	s1 =	sld [smem:$0x3F9D];
	s0 =	simm.s32 @p0 $0x1  }
0x13: {  	[smem:$0x3FB8] =	sst s0;
	s0 =	simm.s32 @!p1 $0x0  }
0x14: {  	s2 =	sld [smem:$0x3F9C];
	s0 =	simm.s32 @p1 $0x1  }
0x15: {  	[smem:$0x3FB9] =	sst s0;
	s0 =	simm.s32 @!p2 $0x0  }
0x16: {  	s3 =	sld [smem:$0x3FDB];
	s0 =	simm.s32 @p2 $0x1  }
0x17: {  	s4 =	simm.s32 $0x1BF5;
	[smem:$0x3FBB] =	sst s0  }
0x18: {  	s0 =	sld [smem:$0x3F9E];
	_ =	swait.ge [sflag:s4], $0x0  }
0x19: {  	s7 =	sld [smem:$0x3F9F]  }
0x1a: {  	s8 =	sadd.s32 $0xFFFFE003, lr  }
0x1b: {  	s9 =	sadd.s32 $0xFFFFFEF7, lr;
	s5 =	simm.s32 $0xFFFFFFFF;
	p2 =	slt.u32 s8, $0xFFFFF086  }
0x1c: {  	p1 =	slt.u32 s9, $0xF7A;
	s5 =	simm.s32 @!p2 $0x0  }
0x1d: {  	s5 =	simm.s32 @p1 $0x1;
	p0 =	seq.s32 s7, s2  }
0x1e: {  	s7 =	smul.u32 @!p0 $0xF7A, s2;
	p2 =	seq.s32 @!p0 s5, $0x0  }
0x1f: {  	s9 =	smul.u32 $0xF7A, s1;
	s8 =	simm.s32 @!p0 $0x1BF5;
	p2 =	por !p2, p0  }
0x20: {  	[sflag:s8] =	ssyncset.s32 @!p0 $0xFFFFF086;
	s6 =	sadd.s32 @!p0 s3, s7;
	s7 =	simm.s32 @!p0 $0x108  }
0x21: {  	s3 =	sadd.s32 s3, s9;
	s6 =	sadd.s32 @!p0 $0x88, s6;
	s7 =	simm.s32 @p2 $0x1082  }
0x22: {  	[simem:s7], [sflag:s8] =	dma.local @!p0 [hbm:s6], $0xF7A  }
0x23: {  	s9 =	sor.u32 $0xD0000000, s2;
	s6 =	simm.s32 $0x108;
	_ =	swait.ge @!p0 [sflag:s8], $0x0  }
0x24: {  	s3 =	sadd.s32 $0x88, s3;
	s6 =	simm.s32 @!p1 $0x1082;
	[sflag:s4] =	ssyncset.s32 $0xFFFFF086  }
0x25: {  	[simem:s6], [sflag:s4] =	dma.local [hbm:s3], $0xF7A  }
0x26: {  	[smem:$0x3F9F] =	sst s1;
	(tag) =	ssettag s2;
	_ =	strace s9  }
0x27: {  	s1 =	sld [smem:$0x3FAF]  }
0x28: {  	s2 =	sld [smem:$0x3FB0]  }
0x29: {  	s4 =	sld [smem:$0x3FB2]  }
0x2a: {  	p0 =	seq.s32 s5, $0x0;
	s5 =	sld [smem:$0x3FB3]  }
0x2b: {  	s6 =	sld [smem:$0x3FB4]  }
0x2c: {  	s7 =	sld [smem:$0x3FB5]  }
0x2d: {  	s3 =	simm.s32 $0x108;
	s8 =	sld [smem:$0x3FB6]  }
0x2e: {  	s3 =	simm.s32 @!p0 $0x1082;
	s9 =	sld [smem:$0x3FB7]  }
0x2f: {  	lr =	sadd.s32 s0, s3;
	s0 =	sld [smem:$0x3FAE]  }
0x30: {  	s3 =	sld [smem:$0x3FB1]  }
0x31: {  	[smem:$0x3FBA] =	sst s10  }
0x32: {  	s10 =	sld [smem:$0x3FB8];
	_ =	sdelay $0x3  }
0x33: {  	p0 =	seq.s32 s10, $0x1;
	s10 =	sld [smem:$0x3FBA];
	_ =	sdelay $0x3  }
0x34: {  	[smem:$0x3FBA] =	sst s10  }
0x35: {  	s10 =	sld [smem:$0x3FB9];
	_ =	sdelay $0x3  }
0x36: {  	p1 =	seq.s32 s10, $0x1;
	s10 =	sld [smem:$0x3FBA];
	_ =	sdelay $0x3  }
0x37: {  	[smem:$0x3FBA] =	sst s10  }
0x38: {  	s10 =	sld [smem:$0x3FBB]  }
0x39: {  	_ = 	snop;
	(pc) =	sbr.ind lr, $3  }
0x3a: {  	_ = 	snop  }
0x3b: {  	_ = 	snop  }
0x3c: {  	p2 =	seq.s32 s10, $0x1;
	s10 =	sld [smem:$0x3FBA]  }
0x3d: {  	_ =	shalt  }
0x3e: {  	_ =	shalt  }
0x3f: {  	_ =	shalt  }
0x40: {  	_ =	shalt  }
0x41: {  	_ =	shalt  }
0x42: {  	_ =	shalt  }
0x43: {  	_ =	shalt  }
0x44: {  	_ =	shalt  }
0x45: {  	_ =	shalt  }
0x46: {  	_ =	shalt  }
0x47: {  	_ =	shalt  }
0x48: {  	_ =	shalt  }
0x49: {  	_ =	shalt  }
0x4a: {  	_ =	shalt  }
0x4b: {  	_ =	shalt  }
0x4c: {  	_ =	shalt  }
0x4d: {  	_ =	shalt  }
0x4e: {  	_ =	shalt  }
0x4f: {  	_ =	shalt  }
0x50: {  	_ =	shalt  }
0x51: {  	_ =	shalt  }
0x52: {  	_ =	shalt  }
0x53: {  	_ =	shalt  }
0x54: {  	_ =	shalt  }
0x55: {  	_ =	shalt  }
0x56: {  	_ =	shalt  }
0x57: {  	_ =	shalt  }
0x58: {  	_ =	shalt  }
0x59: {  	_ =	shalt  }
0x5a: {  	_ =	shalt  }
0x5b: {  	_ =	shalt  }
0x5c: {  	_ =	shalt  }
0x5d: {  	_ =	shalt  }
0x5e: {  	_ =	shalt  }
0x5f: {  	_ =	shalt  }
0x60: {  	_ =	shalt  }
0x61: {  	_ =	shalt  }
0x62: {  	_ =	shalt  }
0x63: {  	_ =	shalt  }
0x64: {  	_ =	shalt  }
0x65: {  	_ =	shalt  }
0x66: {  	_ =	shalt  }
0x67: {  	_ =	shalt  }
0x68: {  	_ =	shalt  }
0x69: {  	_ =	shalt  }
0x6a: {  	_ =	shalt  }
0x6b: {  	_ =	shalt  }
0x6c: {  	_ =	shalt  }
0x6d: {  	_ =	shalt  }
0x6e: {  	_ =	shalt  }
0x6f: {  	_ =	shalt  }
0x70: {  	_ =	shalt  }
0x71: {  	_ =	shalt  }
0x72: {  	_ =	shalt  }
0x73: {  	_ =	shalt  }
0x74: {  	_ =	shalt  }
0x75: {  	_ =	shalt  }
0x76: {  	_ =	shalt  }
0x77: {  	_ =	shalt  }
0x78: {  	_ =	shalt  }
0x79: {  	_ =	shalt  }
0x7a: {  	_ =	shalt  }
0x7b: {  	_ =	shalt  }
0x7c: {  	_ =	shalt  }
0x7d: {  	_ =	shalt  }
0x7e: {  	_ =	shalt  }
0x7f: {  	_ =	shalt  }
0x80: {  	_ =	shalt  }
0x81: {  	_ =	shalt  }
0x82: {  	_ =	shalt  }
0x83: {  	_ =	shalt  }
0x84: {  	_ =	shalt  }
0x85: {  	_ =	shalt  }
0x86: {  	_ =	shalt  }
0x87: {  	_ =	shalt  }
.Lfunc_end0:
.L_simem_size_0:
called_computation_lowered:
.L_overlay_start_0:
0x88: {  	s2 =	sld [smem:$0x3FD9]  }
0x89: {  	s3 =	sld [smem:$0x3FFE];
	_ =	sdelay $0x1  }
0x8a: {  	s1 =	srdreg.scid  }
0x8b: {  	s0 =	sand.u32 $0x1, s1  }
0x8c: {  	s17 =	sshll.u32 s0, $0xA;
	s2 =	sadd.s32 s3, s2  }
0x8d: {  	s2 =	sadd.s32 s2, s17  }
0x8e: {  	[smem:$0x3FC6] =	sst s2  }
0x8f: {  	_ = 	snop  }
0x90: {  	s2 =	sld [smem:$0x3FC8]  }
0x91: {  	s18 =	sld [smem:$0x3FD0];
	(tm) =	ssettm $0x1  }
0x92: {  	s4 =	sld [smem:$0x3FFB];
	_ =	sdelay $0x3  }
0x93: {  	_ =	strace s4  }
0x94: {  	s4 =	sld [smem:$0x3FFC];
	_ =	sdelay $0x3  }
0x95: {  	_ =	strace s4  }
0x96: {  	s4 =	sld [smem:$0x3FFD];
	_ =	sdelay $0x3  }
0x97: {  	_ =	strace s4  }
0x98: {  	_ =	strace $0x8FFFFFFF  }
0x99: {  	s19 =	sld [smem:$0x3FDB];
	_ =	sdelay $0x1  }
0x9a: {  	s5 =	simm.s32 $_scs_section_size  }
0x9b: {  	s6 =	simm.s32 $_size__tile_overlayer_lowered;
	s7 =	simm.s32 $_tile_overlayer_lowered  }
0x9c: {  	s22 =	simm.s32 $0x1BFF;
	s21 =	sshll.u32 s7, $0x1;
	s4 =	sadd.s32 s5, s19  }
0x9d: {  	s8 =	simm.s32 $0x0;
	s20 =	sshll.u32 s6, $0x1;
	s6 =	sadd.s32 s21, s4  }
0x9e: {  	[timem:s8], [sflag:s22] =	dma.local [hbm:s6], s20  }
0x9f: {  	_ =	swait.ge [sflag:s22], s20  }
0xa0: {  	s5 =	ssub.s32 $0x0, s20;
	[sflag:s22] =	ssyncset.done $0x0  }
0xa1: {  	[sflag:s22] =	ssyncadd.s32 s5;
	_ =	sdelay $0x1  }
0xa2: {  	s23 =	simm.s32 $0x1B8B  }
0xa3: {  	_ =	swait.ge [sflag:s23], $0x1  }
0xa4: {  	[sflag:s23] =	ssyncset.done $0x0  }
0xa5: {  	s25 =	simm.s32 $0x1B8E;
	s24 =	sld [smem:$0x3FFE];
	[sflag:s23] =	ssyncadd.s32 $0xFFFFFFFF  }
0xa6: {  	s26 =	simm.s32 $execute0_lowered;
	[smem:$0x3FD2] =	sst s25  }
0xa7: {  	s6 =	sshll.u32 s26, $0x1;
	_ =	strace $0x80000046;
	[dreg:$0x1] =	wrdreg $0xFFFFFFFF  }
0xa8: {  	s28 =	simm.s32 $_size_execute0_lowered;
	s4 =	sadd.s32 s4, s6;
	[dreg:$0x0] =	wrdreg $0x0  }
0xa9: {  	s6 =	sshll.u32 s28, $0x1;
	[dreg:$0x2] =	wrdreg s4  }
0xaa: {  	[dreg:$0x3] =	wrdreg s6  }
0xab: {  	[dreg:$0x4] =	wrdreg $0xC0  }
0xac: {  	_ =	task [dreg:s8], $0x5FFFF  }
0xad: {  	[dreg:$0x1] =	wrdreg $0xFFFFFFFF  }
0xae: {  	[dreg:$0x0] =	wrdreg $0x60  }
0xaf: {  	[dreg:$0x2] =	wrdreg s24  }
0xb0: {  	[dreg:$0x3] =	wrdreg s2  }
0xb1: {  	[dreg:$0x4] =	wrdreg s18  }
0xb2: {  	[dreg:$0x5] =	wrdreg $0x9  }
0xb3: {  	_ =	task.clear_ibuf [dreg:s8], $0x6FFFF;
	_ =	strace $0x90000046  }
0xb4: {  	s29 =	simm.s32 $0x9;
	_ =	strace $0x80000048  }
0xb5: {  	_ =	swait.ge [sflag:s29], $0x1  }
0xb6: {  	[sflag:s29] =	ssyncadd.s32 $0xFFFFFFFF  }
0xb7: {  	_ =	strace $0x90000048  }
0xb8: {  	_ =	sfence  }
0xb9: {  	s30 =	sld [smem:$0x0];
	_ =	sdelay $0x2  }
0xba: {  	s31 =	sshll.u32 s1, $0xD;
	s1 =	sshrl.u32 s1, $0x2  }
0xbb: {  	s3 =	sand.u32 $0x4000, s31;
	s1 =	sadd.s32 s1, s30  }
0xbc: {  	s0 =	sor.u32 s3, s0;
	s1 =	sshll.u32 s1, $0x11  }
0xbd: {  	s0 =	sor.u32 s1, s0  }
0xbe: {  	s0 =	sadd.s32 $0x8F2B, s0  }
0xbf: {  	[sflag:s0] =	ssyncadd.remote.s32 $0x1  }
0xc0: {  	_ =	sfence.sel $0xFFFF  }
0xc1: {  	[dreg:$0x0] =	wrdreg $0xFFFFFFFF;
	(pc) =	sbr.abs _section_cstart, $3  }
0xc2: {  	[dreg:$0x1] =	wrdreg $0xFFFFFFFF  }
0xc3: {  	_ =	task.clear_ibuf [dreg:s8], $0x2FFFF;
	_ =	strace $0x9FFFFFFF  }
0xc4: {  	(tm) =	ssettm $0x7FFFFFFF  }
0xc5: {  	_ =	shalt  }
tec
execute0_lowered:
.L_overlay_start_1:
0x0: {  	(tag) =	ssettag $0x1  }
0x1: {  	s0 =	rddreg [dreg:$0x0]  }
0x2: {  	s3 =	rddreg [dreg:$0x1];
	s2 =	simm.s32 $0x0  }
0x3: {  	[smem:$0x7FF] =	sst s2  }
0x4: {  	s1 =	rddreg [dreg:$0x2];
	v0 =	vimm.s32 $0x1;
	_ =	strace $0x80000047  }
0x5: {  	(xrf0) =	vadd.scan.msk.s32 $0xffff, v0;
	_ =	sdelay $0x5  }
0x6: {  	v32 =	vimm.s32 $0x0;
	v0, _, _ =	vpop (xrf0)  }
0x7: {  	vm0 =	vcmask $0x300;
	v1 =	vadd.s32 $0xFFFFFFFF, v0;
	v3 =	vadd.s32 $0xF, v0  }
0x8: {  	v4 =	vadd.s32 $0x1F, v0;
	v7 =	vadd.s32 $0x2F, v0;
	v2 =	vshrl.u32 v1, $0x3  }
0x9: {  	v1 =	vand.u32 $0x7, v1;
	v5 =	vshrl.u32 v3, $0x3;
	v6 =	vshrl.u32 v4, $0x3  }
0xa: {  	v8 =	vshrl.u32 v7, $0x3;
	v9 =	vand.u32 $0x7, v3;
	v10 =	vand.u32 $0x7, v4  }
0xb: {  	v7 =	vand.u32 $0x7, v7;
	v2 =	vmul.u32 $0x440, v2;
	v1 =	vmul.u32 $0x88, v1  }
0xc: {  	v11 =	vmul.u32 $0x440, v5;
	v9 =	vmul.u32 $0x88, v9;
	v12 =	vmul.u32 $0x440, v6  }
0xd: {  	v10 =	vmul.u32 $0x88, v10;
	v13 =	vmul.u32 $0x440, v8;
	v14 =	vmul.u32 $0x88, v7  }
0xe: {  	v32 =	vsel vm0, $0x3, v32;
	v0 =	vadd.s32 v1, v2;
	v8 =	vadd.s32 v9, v11  }
0xf: {  	s4 =	srdreg.scid;
	s5 =	stileid.u32;
	v9 =	vadd.s32 v10, v12;
	v10 =	vadd.s32 v14, v13;
	v1 =	vor.u32 $0x1, v0  }
0x10: {  	s8 =	simm.s32 $0x7;
	s9 =	simm.s32 $0x80;
	s11 =	simm.s32 $0x8400;
	v2 =	vor.u32 $0x2, v0;
	v3 =	vor.u32 $0x3, v0;
	v4 =	vor.u32 $0x4, v0  }
0x11: {  	s12 =	simm.s32 $0x100;
	s13 =	simm.s32 $0xA400;
	s14 =	simm.s32 $0x180;
	v5 =	vor.u32 $0x5, v0;
	v6 =	vor.u32 $0x6, v0;
	v7 =	vor.u32 $0x7, v0  }
0x12: {  	s15 =	simm.s32 $0xC400;
	s16 =	simm.s32 $0x1;
	s17 =	simm.s32 $0xE400;
	v11 =	vor.u32 $0x1, v8;
	v12 =	vor.u32 $0x1, v9;
	v13 =	vor.u32 $0x1, v10  }
0x13: {  	s18 =	simm.s32 $0x2;
	s19 =	simm.s32 $0x10600;
	s20 =	simm.s32 $0x3;
	v14 =	vor.u32 $0x2, v8;
	v15 =	vor.u32 $0x2, v9;
	v16 =	vor.u32 $0x2, v10  }
0x14: {  	s21 =	simm.s32 $0x5;
	s4 =	sand.u32 $0x1, s4;
	s5 =	sshll.u32 s5, $0x1;
	v17 =	vor.u32 $0x3, v8;
	v18 =	vor.u32 $0x3, v9;
	v19 =	vor.u32 $0x3, v10  }
0x15: {  	s22 =	simm.s32 $0x4;
	s5 =	sor.u32 s4, s5;
	s6 =	ssub.s32 $0x2, s4;
	v20 =	vor.u32 $0x4, v8;
	v21 =	vor.u32 $0x4, v9;
	v22 =	vor.u32 $0x4, v10  }
0x16: {  	s23 =	simm.s32 $0x6;
	s7 =	smul.u32 $0xC80, s5;
	s31 =	sshrl.u32 s6, $0x1;
	v23 =	vor.u32 $0x5, v8;
	v24 =	vor.u32 $0x5, v9;
	v25 =	vor.u32 $0x5, v10  }
0x17: {  	s24 =	simm.s32 $0x0;
	s4 =	sadd.s32 $0xF42800, s0;
	s0 =	ssub.s32 s6, s31;
	v26 =	vor.u32 $0x6, v8;
	v27 =	vor.u32 $0x6, v9;
	v28 =	vor.u32 $0x6, v10  }
0x18: {  	s5 =	smul.u32 $0xC8, s5;
	s6 =	sadd.s32 s3, s7;
	s7 =	smax.u32 s0, $0x1;
	v29 =	vor.u32 $0x7, v8;
	v30 =	vor.u32 $0x7, v9;
	v31 =	vor.u32 $0x7, v10  }
.LBB2_1:
0x19: {  	[tilespmem:s2], [sflag:$0x7] =	stream.linear.gather [hbm4b:s6+s2], $0x6400, $0x38;
	[tilespmem:$0x12800] =	vst v63  }
0x1a: {  	_ =	swait.ge [sflag:s8], $0x6400  }
0x1b: {  	[sflag:s8] =	ssyncset.done $0x0  }
0x1c: {  	s0 =	simm.s32 $0x6400;
	[sflag:s8] =	ssyncadd.s32 $0xFFFF9C00  }
0x1d: {  	[tilespmem:s0], [sflag:$0x1] =	stream.indirect.gather [hbm4b:s4+s9], $0x40, s2, s9, $0xb8;
	[tilespmem:$0x12800] =	vst v63  }
0x1e: {  	_ = 	snop  }
0x1f: {  	[tilespmem:s11], [sflag:$0x2] =	stream.indirect.gather [hbm4b:s4+s9], $0x40, s9, s9, $0xb8;
	[tilespmem:$0x12800] =	vst v63  }
0x20: {  	_ = 	snop  }
0x21: {  	[tilespmem:s13], [sflag:$0x3] =	stream.indirect.gather [hbm4b:s4+s9], $0x40, s12, s9, $0xb8;
	[tilespmem:$0x12800] =	vst v63  }
0x22: {  	s25 =	simm.s32 $0x0  }
0x23: {  	[tilespmem:s15], [sflag:$0x4] =	stream.indirect.gather [hbm4b:s4+s9], $0x40, s14, s9, $0xb8;
	[tilespmem:$0x12800] =	vst v63  }
.LBB2_2:
0x24: {  	s0 =	simm.s32 $0x0;
	s31 =	simm.s32 $0x1;
	s3 =	simm.s32 $0x2  }
0x25: {  	s10 =	simm.s32 $0x3;
	s26 =	simm.s32 $0x7;
	v33 =	vmov s0;
	v34 =	vmov s31;
	v35 =	vmov s3  }
0x26: {  	_ =	swait.ge [sflag:s16], $0x2000;
	s31 =	simm.s32 $0x4;
	v36 =	vmov s10;
	s10 =	simm.s32 $0x5;
	v38 =	vmov s26;
	v33 =	vshrl.u32 v33, $0x3  }
0x27: {  	p1 =	seq.s32 s25, $0x0;
	[sflag:s16] =	ssyncset.done $0x0;
	v37 =	vmov s31;
	v39 =	vmov s10;
	v38 =	vshrl.u32 v38, $0x3  }
0x28: {  	s3 =	simm.s32 @!p1 $0x5;
	[sflag:s16] =	ssyncadd.s32 $0xFFFFE000;
	s31 =	simm.s32 $0x6;
	v34 =	vshrl.u32 v34, $0x3;
	v35 =	vshrl.u32 v35, $0x3;
	v36 =	vshrl.u32 v36, $0x3  }
0x29: {  	v33 =	vshll.u32 v33, v32;
	_ =	swait.ge @!p1 [sflag:s3], $0x2000;
	v40 =	vmov s31;
	v38 =	vshll.u32 v38, v32  }
0x2a: {  	v37 =	vshrl.u32 v37, $0x3;
	v34 =	vshll.u32 v34, v32;
	[sflag:s3] =	ssyncset.done @!p1 $0x0;
	v38 =	vbroadcast v38, $0x0  }
0x2b: {  	s28 =	simm.s32 $0x6500;
	v51 =	vshll.u32 v35, v32;
	v52 =	vshll.u32 v36, v32;
	v33 =	vbroadcast v33, $0x0;
	[sflag:s3] =	ssyncadd.s32 @!p1 $0xFFFFE000  }
0x2c: {  	v55 =	vshrl.u32 v39, $0x3;
	v47 =	vbroadcast v34, $0x0;
	v41 =	vld [tilespmem:s28+$0xC0];
	v42 =	vadd.s32 v7, v38  }
0x2d: {  	v53 =	vbroadcast v51, $0x0;
	v35 =	vbroadcast v52, $0x0;
	v43 =	vld [tilespmem:s28+$0xFFFFFF00];
	v44 =	vadd.s32 v0, v33  }
0x2e: {  	v54 =	vshll.u32 v37, v32;
	v36 =	vshll.u32 v55, v32;
	v45 =	vld [tilespmem:s28+$0xFFFFFF40];
	v46 =	vadd.s32 v1, v47  }
0x2f: {  	v40 =	vshrl.u32 v40, $0x3;
	v34 =	vbroadcast v54, $0x0;
	v48 =	vld [tilespmem:s28+$0xFFFFFF80];
	v49 =	vadd.s32 v2, v53  }
0x30: {  	v37 =	vbroadcast v36, $0x0;
	v56 =	vshll.u32 v40, v32;
	v39 =	vld [tilespmem:s28+$0xFFFFFFC0];
	v50 =	vadd.s32 v3, v35  }
0x31: {  	v51 =	vld [tilespmem:s28+$0x0];
	v36 =	vbroadcast v56, $0x0;
	v52 =	vadd.s32 v4, v34;
	[tilespmem:v42+s17+$0x0] =	vst.idx.msk $0xffff, v41  }
0x32: {  	v59 =	vld [tilespmem:s28+$0x40];
	v60 =	vadd.s32 v5, v37;
	[tilespmem:v44+s17+$0x0] =	vst.idx.msk $0xffff, v43  }
0x33: {  	v61 =	vld [tilespmem:s28+$0x80];
	v62 =	vadd.s32 v6, v36;
	[tilespmem:v46+s17+$0x0] =	vst.idx.msk $0xffff, v45  }
0x34: {  	v58 =	vadd.s32 v29, v38;
	[tilespmem:v49+s17+$0x0] =	vst.idx.msk $0xffff, v48;
	v57 =	vld [tilespmem:s28+$0xD0]  }
0x35: {  	v63 =	vadd.s32 v11, v47;
	[tilespmem:v50+s17+$0x0] =	vst.idx.msk $0xffff, v39;
	v46 =	vld [tilespmem:s28+$0xFFFFFF50]  }
0x36: {  	v55 =	vadd.s32 v14, v53;
	v54 =	vld [tilespmem:s28+$0xFFFFFF90];
	[tilespmem:v52+s17+$0x0] =	vst.idx.msk $0xffff, v51  }
0x37: {  	v56 =	vadd.s32 v17, v35;
	v50 =	vld [tilespmem:s28+$0xFFFFFFD0];
	[tilespmem:v60+s17+$0x0] =	vst.idx.msk $0xffff, v59  }
0x38: {  	v45 =	vadd.s32 v23, v37;
	[tilespmem:v62+s17+$0x0] =	vst.idx.msk $0xffff, v61;
	v44 =	vld [tilespmem:s28+$0x50]  }
0x39: {  	v59 =	vadd.s32 v20, v34;
	[tilespmem:v58+s17+$0x0] =	vst.idx.msk $0xffff, v57;
	v58 =	vld [tilespmem:s28+$0x10]  }
0x3a: {  	v57 =	vadd.s32 v30, v38;
	[tilespmem:v63+s17+$0x0] =	vst.idx.msk $0xffff, v46;
	v40 =	vld [tilespmem:s28+$0xE0]  }
0x3b: {  	v61 =	vld [tilespmem:s28+$0xFFFFFF10];
	v62 =	vadd.s32 v8, v33;
	[tilespmem:v55+s17+$0x0] =	vst.idx.msk $0xffff, v54  }
0x3c: {  	v60 =	vadd.s32 v26, v36;
	v63 =	vld [tilespmem:s28+$0x90];
	[tilespmem:v56+s17+$0x0] =	vst.idx.msk $0xffff, v50  }
0x3d: {  	v51 =	vadd.s32 v12, v47;
	v50 =	vld [tilespmem:s28+$0xFFFFFF60];
	[tilespmem:v45+s17+$0x0] =	vst.idx.msk $0xffff, v44  }
0x3e: {  	v56 =	vadd.s32 v15, v53;
	v55 =	vld [tilespmem:s28+$0xFFFFFFA0];
	[tilespmem:v59+s17+$0x0] =	vst.idx.msk $0xffff, v58  }
0x3f: {  	v58 =	vadd.s32 v18, v35;
	[tilespmem:v57+s17+$0x0] =	vst.idx.msk $0xffff, v40;
	v57 =	vld [tilespmem:s28+$0xFFFFFFE0]  }
0x40: {  	v38 =	vadd.s32 v31, v38;
	[tilespmem:v62+s17+$0x0] =	vst.idx.msk $0xffff, v61;
	v54 =	vld [tilespmem:s28+$0xF0]  }
0x41: {  	s10 =	simm.s32 $0x9;
	[tilespmem:v60+s17+$0x0] =	vst.idx.msk $0xffff, v63;
	v60 =	vadd.s32 v21, v34;
	v59 =	vld [tilespmem:s28+$0x20]  }
0x42: {  	v41 =	vadd.s32 v24, v37;
	v52 =	vmov s10;
	s10 =	simm.s32 $0xC;
	[tilespmem:v51+s17+$0x0] =	vst.idx.msk $0xffff, v50;
	v40 =	vld [tilespmem:s28+$0x60]  }
0x43: {  	s31 =	simm.s32 $0xB;
	s3 =	simm.s32 $0x8;
	v43 =	vadd.s32 v27, v36;
	v48 =	vadd.s32 v9, v33;
	v46 =	vmov s10;
	v42 =	vld [tilespmem:s28+$0xA0];
	[tilespmem:v56+s17+$0x0] =	vst.idx.msk $0xffff, v55  }
0x44: {  	s26 =	simm.s32 $0xA;
	v53 =	vadd.s32 v16, v53;
	v44 =	vmov s31;
	v45 =	vld [tilespmem:s28+$0xFFFFFF20];
	v63 =	vmov s3;
	[tilespmem:v58+s17+$0x0] =	vst.idx.msk $0xffff, v57  }
0x45: {  	s31 =	simm.s32 $0xE;
	v39 =	vshrl.u32 v63, $0x3;
	v51 =	vadd.s32 v13, v47;
	v49 =	vld [tilespmem:s28+$0xFFFFFF70];
	[tilespmem:v38+s17+$0x0] =	vst.idx.msk $0xffff, v54;
	v54 =	vmov s26;
	s26 =	simm.s32 $0xD  }
0x46: {  	s30 =	simm.s32 $0xF;
	s29 =	simm.s32 $0x10;
	v47 =	vshll.u32 v39, v32;
	v39 =	vmov s31;
	v50 =	vld [tilespmem:s28+$0xFFFFFFB0];
	[tilespmem:v60+s17+$0x0] =	vst.idx.msk $0xffff, v59;
	v38 =	vmov s26;
	s26 =	sshll.u32 s25, $0x2  }
.LBB2_3:
0x47: {  	p0 =	slt.u32 s29, $0x78;
	v52 =	vshrl.u32 v52, $0x3;
	v55 =	vmov s30;
	v56 =	vld [tilespmem:s28+$0xFFFFFFF0];
	v35 =	vadd.s32 v19, v35;
	[tilespmem:v41+s17+$0x0] =	vst.idx.msk $0xffff, v40  }
0x48: {  	v40 =	vshrl.u32 v54, $0x3;
	v34 =	vadd.s32 v22, v34;
	v41 =	vshrl.u32 v55, $0x3;
	v54 =	vld [tilespmem:s28+$0x30];
	[tilespmem:v43+s17+$0x0] =	vst.idx.msk $0xffff, v42  }
0x49: {  	v37 =	vadd.s32 v25, v37;
	v42 =	vshrl.u32 v44, $0x3;
	v41 =	vshll.u32 v41, v32;
	[tilespmem:v48+s17+$0x0] =	vst.idx.msk $0xffff, v45;
	v43 =	vld [tilespmem:s28+$0x70]  }
0x4a: {  	v36 =	vadd.s32 v28, v36;
	v44 =	vshrl.u32 v46, $0x3;
	v41 =	vbroadcast v41, $0x0;
	[tilespmem:v51+s17+$0x0] =	vst.idx.msk $0xffff, v49;
	v45 =	vld [tilespmem:s28+$0xB0]  }
0x4b: {  	v46 =	vshll.u32 v52, v32;
	v49 =	vadd.s32 v10, v33;
	v33 =	vbroadcast v47, $0x0;
	v48 =	vld [tilespmem:s28+$0xFFFFFF30];
	[tilespmem:v53+s17+$0x0] =	vst.idx.msk $0xffff, v50;
	s28 =	sadd.s32 $0x200, s28  }
0x4c: {  	v40 =	vshll.u32 v40, v32;
	v47 =	vbroadcast v46, $0x0;
	v46 =	vld [tilespmem:s28+$0xC0];
	v50 =	vadd.s32 v7, v41;
	[tilespmem:v35+s17+$0x0] =	vst.idx.msk $0xffff, v56  }
0x4d: {  	v53 =	vbroadcast v40, $0x0;
	v52 =	vadd.s32 v0, v33;
	v35 =	vshll.u32 v42, v32;
	v51 =	vld [tilespmem:s28+$0xFFFFFF00];
	[tilespmem:v34+s17+$0x0] =	vst.idx.msk $0xffff, v54  }
0x4e: {  	v42 =	vadd.s32 v1, v47;
	v35 =	vbroadcast v35, $0x0;
	v34 =	vshll.u32 v44, v32;
	v40 =	vld [tilespmem:s28+$0xFFFFFF40];
	[tilespmem:v37+s17+$0x0] =	vst.idx.msk $0xffff, v43  }
0x4f: {  	v44 =	vadd.s32 v2, v53;
	v34 =	vbroadcast v34, $0x0;
	v37 =	vshrl.u32 v38, $0x3;
	v43 =	vld [tilespmem:s28+$0xFFFFFF80];
	[tilespmem:v36+s17+$0x0] =	vst.idx.msk $0xffff, v45  }
0x50: {  	v39 =	vshrl.u32 v39, $0x3;
	v45 =	vadd.s32 v3, v35;
	v36 =	vshll.u32 v37, v32;
	v38 =	vld [tilespmem:s28+$0xFFFFFFC0];
	[tilespmem:v49+s17+$0x0] =	vst.idx.msk $0xffff, v48  }
0x51: {  	v49 =	vadd.s32 v4, v34;
	v37 =	vbroadcast v36, $0x0;
	v36 =	vshll.u32 v39, v32;
	v48 =	vld [tilespmem:s28+$0x0];
	[tilespmem:v50+s17+$0x0] =	vst.idx.msk $0xffff, v46  }
0x52: {  	v36 =	vbroadcast v36, $0x0;
	v46 =	vadd.s32 v29, v41;
	[tilespmem:v52+s17+$0x0] =	vst.idx.msk $0xffff, v51;
	v39 =	vld [tilespmem:s28+$0xD0]  }
0x53: {  	[tilespmem:v42+s17+$0x0] =	vst.idx.msk $0xffff, v40;
	v40 =	vld [tilespmem:s28+$0x40];
	v42 =	vadd.s32 v5, v37  }
0x54: {  	[tilespmem:v44+s17+$0x0] =	vst.idx.msk $0xffff, v43;
	v43 =	vld [tilespmem:s28+$0x80];
	v44 =	vadd.s32 v6, v36  }
0x55: {  	v51 =	vadd.s32 v11, v47;
	v50 =	vld [tilespmem:s28+$0xFFFFFF50];
	[tilespmem:v45+s17+$0x0] =	vst.idx.msk $0xffff, v38  }
0x56: {  	v45 =	vadd.s32 v14, v53;
	v38 =	vld [tilespmem:s28+$0xFFFFFF90];
	[tilespmem:v49+s17+$0x0] =	vst.idx.msk $0xffff, v48  }
0x57: {  	v49 =	vadd.s32 v17, v35;
	v48 =	vld [tilespmem:s28+$0xFFFFFFD0];
	[tilespmem:v46+s17+$0x0] =	vst.idx.msk $0xffff, v39  }
0x58: {  	[tilespmem:v42+s17+$0x0] =	vst.idx.msk $0xffff, v40;
	v39 =	vld [tilespmem:s28+$0xE0];
	v40 =	vadd.s32 v30, v41  }
0x59: {  	v46 =	vadd.s32 v20, v34;
	v42 =	vld [tilespmem:s28+$0x10];
	[tilespmem:v44+s17+$0x0] =	vst.idx.msk $0xffff, v43  }
0x5a: {  	v44 =	vadd.s32 v23, v37;
	[tilespmem:v51+s17+$0x0] =	vst.idx.msk $0xffff, v50;
	v43 =	vld [tilespmem:s28+$0x50]  }
0x5b: {  	[tilespmem:v45+s17+$0x0] =	vst.idx.msk $0xffff, v38;
	v38 =	vld [tilespmem:s28+$0x90];
	v45 =	vadd.s32 v26, v36  }
0x5c: {  	v51 =	vadd.s32 v8, v33;
	v50 =	vld [tilespmem:s28+$0xFFFFFF10];
	[tilespmem:v49+s17+$0x0] =	vst.idx.msk $0xffff, v48  }
0x5d: {  	v49 =	vadd.s32 v12, v47;
	v48 =	vld [tilespmem:s28+$0xFFFFFF60];
	[tilespmem:v40+s17+$0x0] =	vst.idx.msk $0xffff, v39  }
0x5e: {  	[tilespmem:v46+s17+$0x0] =	vst.idx.msk $0xffff, v42;
	v39 =	vld [tilespmem:s28+$0xF0];
	v46 =	vadd.s32 v31, v41  }
0x5f: {  	v56 =	vadd.s32 v15, v53;
	v55 =	vld [tilespmem:s28+$0xFFFFFFA0];
	[tilespmem:v44+s17+$0x0] =	vst.idx.msk $0xffff, v43  }
0x60: {  	v58 =	vadd.s32 v18, v35;
	v57 =	vld [tilespmem:s28+$0xFFFFFFE0];
	[tilespmem:v45+s17+$0x0] =	vst.idx.msk $0xffff, v38  }
0x61: {  	v60 =	vadd.s32 v21, v34;
	[tilespmem:v51+s17+$0x0] =	vst.idx.msk $0xffff, v50;
	v59 =	vld [tilespmem:s28+$0x20]  }
.Ltmp0:
0x62: {  	s0 =	sadd.s32 $0x1, s29;
	v41 =	vadd.s32 v24, v37;
	v38 =	vmov s29;
	[tilespmem:v49+s17+$0x0] =	vst.idx.msk $0xffff, v48;
	v40 =	vld [tilespmem:s28+$0x60];
	(pc) =	sbr.rel @p0 .LBB2_3-.Ltmp0, $4  }
0x63: {  	s3 =	sadd.s32 $0x3, s29;
	v52 =	vmov s0;
	s0 =	sadd.s32 $0x2, s29;
	v43 =	vadd.s32 v27, v36;
	v50 =	vshrl.u32 v38, $0x3;
	v42 =	vld [tilespmem:s28+$0xA0];
	[tilespmem:v46+s17+$0x0] =	vst.idx.msk $0xffff, v39  }
0x64: {  	v54 =	vmov s0;
	s0 =	sadd.s32 $0x4, s29;
	v44 =	vmov s3;
	s3 =	sadd.s32 $0x5, s29;
	v48 =	vadd.s32 v9, v33;
	v45 =	vld [tilespmem:s28+$0xFFFFFF20];
	[tilespmem:v56+s17+$0x0] =	vst.idx.msk $0xffff, v55  }
0x65: {  	v38 =	vmov s3;
	v51 =	vadd.s32 v13, v47;
	v46 =	vmov s0;
	s0 =	sadd.s32 $0x6, s29;
	v49 =	vld [tilespmem:s28+$0xFFFFFF70];
	[tilespmem:v58+s17+$0x0] =	vst.idx.msk $0xffff, v57  }
0x66: {  	s30 =	sadd.s32 $0x7, s29;
	v53 =	vadd.s32 v16, v53;
	v47 =	vshll.u32 v50, v32;
	s29 =	sadd.s32 $0x8, s29;
	v39 =	vmov s0;
	v50 =	vld [tilespmem:s28+$0xFFFFFFB0];
	[tilespmem:v60+s17+$0x0] =	vst.idx.msk $0xffff, v59  }
0x67: {  	_ =	sdelay $0x2  }
0x68: {  	v52 =	vshrl.u32 v52, $0x3  }
0x69: {  	v55 =	vmov s30;
	v56 =	vld [tilespmem:s28+$0xFFFFFFF0];
	v35 =	vadd.s32 v19, v35;
	[tilespmem:v41+s17+$0x0] =	vst.idx.msk $0xffff, v40;
	v57 =	vshrl.u32 v54, $0x3  }
0x6a: {  	v59 =	vld [tilespmem:s28+$0x30];
	v34 =	vadd.s32 v22, v34;
	v60 =	vshrl.u32 v44, $0x3;
	v58 =	vshrl.u32 v55, $0x3;
	[tilespmem:v43+s17+$0x0] =	vst.idx.msk $0xffff, v42  }
0x6b: {  	v37 =	vadd.s32 v25, v37;
	v62 =	vshrl.u32 v46, $0x3;
	v61 =	vld [tilespmem:s28+$0x70];
	v41 =	vshll.u32 v58, v32;
	[tilespmem:v48+s17+$0x0] =	vst.idx.msk $0xffff, v45  }
0x6c: {  	v36 =	vadd.s32 v28, v36;
	v46 =	vbroadcast v47, $0x0;
	v63 =	vld [tilespmem:s28+$0xB0];
	v41 =	vbroadcast v41, $0x0;
	[tilespmem:v51+s17+$0x0] =	vst.idx.msk $0xffff, v49  }
0x6d: {  	v33 =	vadd.s32 v10, v33;
	v38 =	vshrl.u32 v38, $0x3;
	v55 =	vshll.u32 v52, v32;
	v48 =	vld [tilespmem:s28+$0xFFFFFF30];
	s28 =	sadd.s32 $0x200, s28;
	[tilespmem:v53+s17+$0x0] =	vst.idx.msk $0xffff, v50  }
0x6e: {  	v40 =	vshll.u32 v57, v32;
	v47 =	vbroadcast v55, $0x0;
	v49 =	vld [tilespmem:s28+$0xC0];
	v50 =	vadd.s32 v7, v41;
	[tilespmem:v35+s17+$0x0] =	vst.idx.msk $0xffff, v56  }
0x6f: {  	v42 =	vshll.u32 v60, v32;
	v40 =	vbroadcast v40, $0x0;
	v35 =	vld [tilespmem:s28+$0xFFFFFF00];
	v56 =	vadd.s32 v0, v46;
	[tilespmem:v34+s17+$0x0] =	vst.idx.msk $0xffff, v59  }
0x70: {  	v44 =	vshll.u32 v62, v32;
	v42 =	vbroadcast v42, $0x0;
	v57 =	vld [tilespmem:s28+$0xFFFFFF40];
	v58 =	vadd.s32 v1, v47;
	[tilespmem:v37+s17+$0x0] =	vst.idx.msk $0xffff, v61  }
0x71: {  	v38 =	vshll.u32 v38, v32;
	v44 =	vbroadcast v44, $0x0;
	v60 =	vadd.s32 v2, v40;
	v59 =	vld [tilespmem:s28+$0xFFFFFF80];
	[tilespmem:v36+s17+$0x0] =	vst.idx.msk $0xffff, v63  }
0x72: {  	v38 =	vbroadcast v38, $0x0;
	v62 =	vadd.s32 v3, v42;
	v61 =	vld [tilespmem:s28+$0xFFFFFFC0];
	[tilespmem:v33+s17+$0x0] =	vst.idx.msk $0xffff, v48  }
0x73: {  	v39 =	vshrl.u32 v39, $0x3;
	v63 =	vadd.s32 v4, v44;
	v33 =	vld [tilespmem:s28+$0x0];
	[tilespmem:v50+s17+$0x0] =	vst.idx.msk $0xffff, v49  }
0x74: {  	v39 =	vshll.u32 v39, v32;
	v34 =	vld [tilespmem:s28+$0x40];
	[tilespmem:v56+s17+$0x0] =	vst.idx.msk $0xffff, v35;
	v56 =	vadd.s32 v5, v38  }
0x75: {  	[tilespmem:v58+s17+$0x0] =	vst.idx.msk $0xffff, v57;
	v35 =	vbroadcast v39, $0x0;
	v49 =	vadd.s32 v29, v41;
	v39 =	vld [tilespmem:s28+$0xD0]  }
0x76: {  	[tilespmem:v60+s17+$0x0] =	vst.idx.msk $0xffff, v59;
	v59 =	vld [tilespmem:s28+$0xFFFFFF50];
	v60 =	vadd.s32 v11, v47  }
0x77: {  	v57 =	vld [tilespmem:s28+$0x80];
	[tilespmem:v62+s17+$0x0] =	vst.idx.msk $0xffff, v61;
	v58 =	vadd.s32 v6, v35  }
0x78: {  	v61 =	vld [tilespmem:s28+$0xFFFFFF90];
	v62 =	vadd.s32 v14, v40;
	[tilespmem:v63+s17+$0x0] =	vst.idx.msk $0xffff, v33  }
0x79: {  	v33 =	vld [tilespmem:s28+$0xFFFFFFD0];
	v63 =	vadd.s32 v17, v42;
	[tilespmem:v56+s17+$0x0] =	vst.idx.msk $0xffff, v34  }
0x7a: {  	v56 =	vadd.s32 v20, v44;
	[tilespmem:v49+s17+$0x0] =	vst.idx.msk $0xffff, v39;
	v49 =	vld [tilespmem:s28+$0x10]  }
0x7b: {  	[tilespmem:v60+s17+$0x0] =	vst.idx.msk $0xffff, v59;
	v39 =	vadd.s32 v30, v41;
	v34 =	vld [tilespmem:s28+$0xE0]  }
0x7c: {  	[tilespmem:v58+s17+$0x0] =	vst.idx.msk $0xffff, v57;
	v57 =	vld [tilespmem:s28+$0x50];
	v58 =	vadd.s32 v23, v38  }
0x7d: {  	[tilespmem:v62+s17+$0x0] =	vst.idx.msk $0xffff, v61;
	v61 =	vld [tilespmem:s28+$0xFFFFFF10];
	v62 =	vadd.s32 v8, v46  }
0x7e: {  	v60 =	vadd.s32 v26, v35;
	v59 =	vld [tilespmem:s28+$0x90];
	[tilespmem:v63+s17+$0x0] =	vst.idx.msk $0xffff, v33  }
0x7f: {  	v55 =	vadd.s32 v15, v40;
	v54 =	vadd.s32 v31, v41;
	v41 =	vld [tilespmem:s28+$0xFFFFFFA0];
	[tilespmem:v56+s17+$0x0] =	vst.idx.msk $0xffff, v49  }
0x80: {  	v53 =	vadd.s32 v12, v47;
	v63 =	vld [tilespmem:s28+$0xFFFFFF60];
	[tilespmem:v39+s17+$0x0] =	vst.idx.msk $0xffff, v34  }
0x81: {  	v56 =	vld [tilespmem:s28+$0xFFFFFFE0];
	[tilespmem:v58+s17+$0x0] =	vst.idx.msk $0xffff, v57;
	v57 =	vadd.s32 v18, v42  }
0x82: {  	[tilespmem:v62+s17+$0x0] =	vst.idx.msk $0xffff, v61;
	v34 =	vld [tilespmem:s28+$0xF0]  }
0x83: {  	v58 =	vld [tilespmem:s28+$0x20];
	[tilespmem:v60+s17+$0x0] =	vst.idx.msk $0xffff, v59;
	v59 =	vadd.s32 v21, v44  }
0x84: {  	v61 =	vadd.s32 v24, v38;
	[tilespmem:v55+s17+$0x0] =	vst.idx.msk $0xffff, v41;
	v60 =	vld [tilespmem:s28+$0x60]  }
0x85: {  	[tilespmem:v53+s17+$0x0] =	vst.idx.msk $0xffff, v63;
	v63 =	vadd.s32 v27, v35;
	v62 =	vld [tilespmem:s28+$0xA0]  }
0x86: {  	v47 =	vadd.s32 v13, v47;
	v55 =	vld [tilespmem:s28+$0xFFFFFF70];
	[tilespmem:v57+s17+$0x0] =	vst.idx.msk $0xffff, v56  }
0x87: {  	v53 =	vld [tilespmem:s28+$0xFFFFFF20];
	[tilespmem:v54+s17+$0x0] =	vst.idx.msk $0xffff, v34;
	v54 =	vadd.s32 v9, v46  }
0x88: {  	v40 =	vadd.s32 v16, v40;
	v56 =	vld [tilespmem:s28+$0xFFFFFFB0];
	[tilespmem:v59+s17+$0x0] =	vst.idx.msk $0xffff, v58  }
0x89: {  	v42 =	vadd.s32 v19, v42;
	v57 =	vld [tilespmem:s28+$0xFFFFFFF0];
	[tilespmem:v61+s17+$0x0] =	vst.idx.msk $0xffff, v60  }
0x8a: {  	v59 =	vadd.s32 v22, v44;
	v58 =	vld [tilespmem:s28+$0x30];
	[tilespmem:v63+s17+$0x0] =	vst.idx.msk $0xffff, v62  }
0x8b: {  	v38 =	vadd.s32 v25, v38;
	v60 =	vld [tilespmem:s28+$0x70];
	[tilespmem:v47+s17+$0x0] =	vst.idx.msk $0xffff, v55  }
0x8c: {  	v35 =	vadd.s32 v28, v35;
	v61 =	vld [tilespmem:s28+$0xB0];
	[tilespmem:v54+s17+$0x0] =	vst.idx.msk $0xffff, v53  }
0x8d: {  	v63 =	vadd.s32 v10, v46;
	[tilespmem:v40+s17+$0x0] =	vst.idx.msk $0xffff, v56;
	v62 =	vld [tilespmem:s28+$0xFFFFFF30]  }
0x8e: {  	[tilespmem:v42+s17+$0x0] =	vst.idx.msk $0xffff, v57  }
0x8f: {  	p0 =	seq.s32 s25, $0x31;
	[tilespmem:v59+s17+$0x0] =	vst.idx.msk $0xffff, v58  }
0x90: {  	s0 =	sshll.u32 @!p0 s25, $0x9;
	[tilespmem:v38+s17+$0x0] =	vst.idx.msk $0xffff, v60  }
0x91: {  	s28 =	sand.u32 @!p0 $0x3FFFFE00, s0;
	[tilespmem:v35+s17+$0x0] =	vst.idx.msk $0xffff, v61  }
0x92: {  	s3 =	simm.s32 @!p0 $0x80;
	s29 =	simm.s32 @!p0 $0x6400;
	s0 =	sadd.s32 @!p0 $0x200, s28;
	[tilespmem:v63+s17+$0x0] =	vst.idx.msk $0xffff, v62  }
0x93: {  	[tilespmem:s29], [sflag:$0x1] =	stream.indirect.gather @!p0 [hbm4b:s4+s3], $0x40, s0, s3, $0xb8;
	[tilespmem:$0x12800] =	vst v63  }
0x94: {  	s3 =	sadd.s32 s5, s26  }
0x95: {  	s10 =	sshll.u32 s3, $0x7  }
0x96: {  	s0 =	sshll.u32 s3, $0xA;
	s3 =	sand.u32 $0x3E00, s10  }
0x97: {  	s0 =	sand.u32 $0xFFE0000, s0;
	s3 =	sadd.s32 s1, s3  }
0x98: {  	s30 =	sadd.s32 s0, s3;
	s3 =	simm.s32 $0xE400  }
0x99: {  	[hbm4b:s30+s2] =	stream.linear.scatter [tilespmem:s3], [sflag:$0x5], $0x80, $0x38;
	[tilespmem:$0x12800] =	vst v63  }
0x9a: {  	s10 =	simm.s32 $0xE488;
	s3 =	sadd.s32 $0x10, s30  }
0x9b: {  	[hbm4b:s3+s2] =	stream.linear.scatter [tilespmem:s10], [sflag:$0x5], $0x80, $0x38;
	[tilespmem:$0x12800] =	vst v63  }
0x9c: {  	s3 =	simm.s32 $0xE510;
	s10 =	sadd.s32 $0x20, s30  }
0x9d: {  	[hbm4b:s10+s2] =	stream.linear.scatter [tilespmem:s3], [sflag:$0x5], $0x80, $0x38;
	[tilespmem:$0x12800] =	vst v63  }
0x9e: {  	s3 =	simm.s32 $0xE598;
	s10 =	sadd.s32 $0x30, s30  }
0x9f: {  	[hbm4b:s10+s2] =	stream.linear.scatter [tilespmem:s3], [sflag:$0x5], $0x80, $0x38;
	[tilespmem:$0x12800] =	vst v63  }
0xa0: {  	s3 =	simm.s32 $0xE620;
	s10 =	sadd.s32 $0x40, s30  }
0xa1: {  	[hbm4b:s10+s2] =	stream.linear.scatter [tilespmem:s3], [sflag:$0x5], $0x80, $0x38;
	[tilespmem:$0x12800] =	vst v63  }
0xa2: {  	s31 =	simm.s32 $0x2200;
	s3 =	simm.s32 $0xE6A8;
	s10 =	sadd.s32 $0x50, s30  }
0xa3: {  	[hbm4b:s10+s2] =	stream.linear.scatter [tilespmem:s3], [sflag:$0x5], $0x80, $0x38;
	[tilespmem:$0x12800] =	vst v63  }
0xa4: {  	s29 =	simm.s32 $0x440;
	s3 =	simm.s32 $0xE730;
	s10 =	sadd.s32 $0x60, s30  }
0xa5: {  	[hbm4b:s10+s2] =	stream.linear.scatter [tilespmem:s3], [sflag:$0x5], $0x80, $0x38;
	[tilespmem:$0x12800] =	vst v63  }
0xa6: {  	s0 =	simm.s32 $0xE7B8;
	s3 =	sadd.s32 $0x70, s30;
	s30 =	sadd.s32 $0x4000, s30  }
.LBB2_5:
0xa7: {  	[hbm4b:s3+s2] =	stream.linear.scatter [tilespmem:s0], [sflag:$0x5], $0x80, $0x38;
	[tilespmem:$0x12800] =	vst v63  }
0xa8: {  	s0 =	smov.u32 s29;
	s3 =	smov.u32 s31  }
0xa9: {  	s10 =	sadd.s32 $0x1100, s31;
	s29 =	sshra.s32 s3, $0x2;
	s3 =	sadd.s32 $0xE400, s0  }
0xaa: {  	[hbm4b:s30+s2] =	stream.linear.scatter [tilespmem:s3], [sflag:$0x5], $0x80, $0x38;
	[tilespmem:$0x12800] =	vst v63  }
0xab: {  	p2 =	sne.s32 s31, $0x7700;
	s31 =	sadd.s32 $0x10, s30;
	s3 =	sadd.s32 $0xE488, s0  }
0xac: {  	[hbm4b:s31+s2] =	stream.linear.scatter [tilespmem:s3], [sflag:$0x5], $0x80, $0x38;
	[tilespmem:$0x12800] =	vst v63  }
0xad: {  	s3 =	sadd.s32 $0xE510, s0;
	s31 =	sadd.s32 $0x20, s30  }
0xae: {  	[hbm4b:s31+s2] =	stream.linear.scatter [tilespmem:s3], [sflag:$0x5], $0x80, $0x38;
	[tilespmem:$0x12800] =	vst v63  }
0xaf: {  	s3 =	sadd.s32 $0xE598, s0;
	s31 =	sadd.s32 $0x30, s30  }
0xb0: {  	[hbm4b:s31+s2] =	stream.linear.scatter [tilespmem:s3], [sflag:$0x5], $0x80, $0x38;
	[tilespmem:$0x12800] =	vst v63  }
0xb1: {  	s3 =	sadd.s32 $0xE620, s0;
	s31 =	sadd.s32 $0x40, s30  }
0xb2: {  	[hbm4b:s31+s2] =	stream.linear.scatter [tilespmem:s3], [sflag:$0x5], $0x80, $0x38;
	[tilespmem:$0x12800] =	vst v63  }
.Ltmp1:
0xb3: {  	s3 =	sadd.s32 $0xE6A8, s0;
	s31 =	sadd.s32 $0x50, s30;
	(pc) =	sbr.rel @p2 .LBB2_5-.Ltmp1, $4  }
0xb4: {  	[hbm4b:s31+s2] =	stream.linear.scatter [tilespmem:s3], [sflag:$0x5], $0x80, $0x38;
	[tilespmem:$0x12800] =	vst v63  }
0xb5: {  	s3 =	sadd.s32 $0xE730, s0;
	s31 =	sadd.s32 $0x60, s30;
	s0 =	sadd.s32 $0xE7B8, s0  }
0xb6: {  	[hbm4b:s31+s2] =	stream.linear.scatter [tilespmem:s3], [sflag:$0x5], $0x80, $0x38;
	[tilespmem:$0x12800] =	vst v63  }
0xb7: {  	s3 =	sadd.s32 $0x70, s30;
	s30 =	sadd.s32 $0x4000, s30;
	s31 =	smov.u32 s10  }
0xb8: {  	[hbm4b:s3+s2] =	stream.linear.scatter [tilespmem:s0], [sflag:$0x5], $0x80, $0x38;
	[tilespmem:$0x12800] =	vst v63  }
0xb9: {  	s10 =	sadd.s32 $0xE400, s29  }
0xba: {  	[hbm4b:s30+s2] =	stream.linear.scatter [tilespmem:s10], [sflag:$0x5], $0x80, $0x38;
	[tilespmem:$0x12800] =	vst v63  }
0xbb: {  	s3 =	sadd.s32 $0xE488, s29;
	s10 =	sadd.s32 $0x10, s30  }
0xbc: {  	[hbm4b:s10+s2] =	stream.linear.scatter [tilespmem:s3], [sflag:$0x5], $0x80, $0x38;
	[tilespmem:$0x12800] =	vst v63  }
0xbd: {  	s3 =	sadd.s32 $0xE510, s29;
	s10 =	sadd.s32 $0x20, s30  }
0xbe: {  	[hbm4b:s10+s2] =	stream.linear.scatter [tilespmem:s3], [sflag:$0x5], $0x80, $0x38;
	[tilespmem:$0x12800] =	vst v63  }
0xbf: {  	s3 =	sadd.s32 $0xE598, s29;
	s10 =	sadd.s32 $0x30, s30  }
0xc0: {  	[hbm4b:s10+s2] =	stream.linear.scatter [tilespmem:s3], [sflag:$0x5], $0x80, $0x38;
	[tilespmem:$0x12800] =	vst v63  }
0xc1: {  	s3 =	sadd.s32 $0xE620, s29;
	s10 =	sadd.s32 $0x40, s30  }
0xc2: {  	[hbm4b:s10+s2] =	stream.linear.scatter [tilespmem:s3], [sflag:$0x5], $0x80, $0x38;
	[tilespmem:$0x12800] =	vst v63  }
0xc3: {  	s3 =	sadd.s32 $0xE6A8, s29;
	s10 =	sadd.s32 $0x50, s30  }
0xc4: {  	[hbm4b:s10+s2] =	stream.linear.scatter [tilespmem:s3], [sflag:$0x5], $0x80, $0x38;
	[tilespmem:$0x12800] =	vst v63  }
0xc5: {  	s0 =	simm.s32 $0x3;
	s3 =	sadd.s32 $0xE730, s29;
	s10 =	sadd.s32 $0x60, s30  }
0xc6: {  	[hbm4b:s10+s2] =	stream.linear.scatter [tilespmem:s3], [sflag:$0x5], $0x80, $0x38;
	[tilespmem:$0x12800] =	vst v63  }
0xc7: {  	v36 =	vmov s0;
	s0 =	simm.s32 $0x5;
	s3 =	sadd.s32 $0xE7B8, s29;
	s10 =	sadd.s32 $0x70, s30  }
0xc8: {  	[hbm4b:s10+s2] =	stream.linear.scatter [tilespmem:s3], [sflag:$0x5], $0x80, $0x38;
	[tilespmem:$0x12800] =	vst v63  }
0xc9: {  	v39 =	vmov s0;
	v36 =	vshrl.u32 v36, $0x3;
	s10 =	simm.s32 $0x0  }
0xca: {  	v52 =	vshll.u32 v36, v32;
	v55 =	vshrl.u32 v39, $0x3;
	s3 =	simm.s32 $0x1;
	_ =	swait.ge [sflag:s18], $0x2000;
	v33 =	vmov s10  }
0xcb: {  	v36 =	vshll.u32 v55, v32;
	s10 =	simm.s32 $0x2;
	v34 =	vmov s3;
	s3 =	simm.s32 $0x4;
	v33 =	vshrl.u32 v33, $0x3;
	[sflag:s18] =	ssyncset.done $0x0  }
0xcc: {  	v35 =	vmov s10;
	s10 =	simm.s32 $0x7;
	v37 =	vmov s3;
	s3 =	simm.s32 @!p1 $0x6;
	v34 =	vshrl.u32 v34, $0x3;
	[sflag:s18] =	ssyncadd.s32 $0xFFFFE000  }
0xcd: {  	v38 =	vmov s10;
	v33 =	vshll.u32 v33, v32;
	v35 =	vshrl.u32 v35, $0x3;
	_ =	swait.ge @!p1 [sflag:s3], $0x2000  }
0xce: {  	v34 =	vshll.u32 v34, v32;
	v38 =	vshrl.u32 v38, $0x3;
	v33 =	vbroadcast v33, $0x0;
	[sflag:s3] =	ssyncset.done @!p1 $0x0  }
0xcf: {  	s30 =	simm.s32 $0x8500;
	v37 =	vshrl.u32 v37, $0x3;
	v47 =	vbroadcast v34, $0x0;
	v38 =	vshll.u32 v38, v32;
	[sflag:s3] =	ssyncadd.s32 @!p1 $0xFFFFE000  }
0xd0: {  	s10 =	simm.s32 $0x6;
	v51 =	vshll.u32 v35, v32;
	v38 =	vbroadcast v38, $0x0;
	v44 =	vadd.s32 v0, v33;
	v43 =	vld [tilespmem:s30+$0xFFFFFF00]  }
0xd1: {  	v40 =	vmov s10;
	v53 =	vbroadcast v51, $0x0;
	v46 =	vadd.s32 v1, v47;
	v45 =	vld [tilespmem:s30+$0xFFFFFF40]  }
0xd2: {  	v35 =	vbroadcast v52, $0x0;
	v54 =	vshll.u32 v37, v32;
	v41 =	vld [tilespmem:s30+$0xC0];
	v42 =	vadd.s32 v7, v38  }
0xd3: {  	v34 =	vbroadcast v54, $0x0;
	v40 =	vshrl.u32 v40, $0x3;
	v48 =	vld [tilespmem:s30+$0xFFFFFF80];
	v49 =	vadd.s32 v2, v53  }
0xd4: {  	v37 =	vbroadcast v36, $0x0;
	v50 =	vadd.s32 v3, v35;
	v56 =	vshll.u32 v40, v32;
	v39 =	vld [tilespmem:s30+$0xFFFFFFC0]  }
0xd5: {  	v51 =	vld [tilespmem:s30+$0x0];
	v52 =	vadd.s32 v4, v34;
	v36 =	vbroadcast v56, $0x0;
	[tilespmem:v44+s19+$0x0] =	vst.idx.msk $0xffff, v43  }
0xd6: {  	v60 =	vadd.s32 v5, v37;
	v59 =	vld [tilespmem:s30+$0x40];
	[tilespmem:v46+s19+$0x0] =	vst.idx.msk $0xffff, v45  }
0xd7: {  	v61 =	vld [tilespmem:s30+$0x80];
	v62 =	vadd.s32 v6, v36;
	[tilespmem:v42+s19+$0x0] =	vst.idx.msk $0xffff, v41  }
0xd8: {  	v58 =	vadd.s32 v29, v38;
	[tilespmem:v49+s19+$0x0] =	vst.idx.msk $0xffff, v48;
	v57 =	vld [tilespmem:s30+$0xD0]  }
0xd9: {  	v63 =	vadd.s32 v11, v47;
	[tilespmem:v50+s19+$0x0] =	vst.idx.msk $0xffff, v39;
	v46 =	vld [tilespmem:s30+$0xFFFFFF50]  }
0xda: {  	v55 =	vadd.s32 v14, v53;
	[tilespmem:v52+s19+$0x0] =	vst.idx.msk $0xffff, v51;
	v54 =	vld [tilespmem:s30+$0xFFFFFF90]  }
0xdb: {  	v56 =	vadd.s32 v17, v35;
	[tilespmem:v60+s19+$0x0] =	vst.idx.msk $0xffff, v59;
	v50 =	vld [tilespmem:s30+$0xFFFFFFD0]  }
0xdc: {  	v45 =	vadd.s32 v23, v37;
	v44 =	vld [tilespmem:s30+$0x50];
	[tilespmem:v62+s19+$0x0] =	vst.idx.msk $0xffff, v61  }
0xdd: {  	v59 =	vadd.s32 v20, v34;
	[tilespmem:v58+s19+$0x0] =	vst.idx.msk $0xffff, v57;
	v58 =	vld [tilespmem:s30+$0x10]  }
0xde: {  	[tilespmem:v63+s19+$0x0] =	vst.idx.msk $0xffff, v46;
	v57 =	vadd.s32 v30, v38;
	v40 =	vld [tilespmem:s30+$0xE0]  }
0xdf: {  	v61 =	vld [tilespmem:s30+$0xFFFFFF10];
	v62 =	vadd.s32 v8, v33;
	[tilespmem:v55+s19+$0x0] =	vst.idx.msk $0xffff, v54  }
0xe0: {  	v60 =	vadd.s32 v26, v36;
	v63 =	vld [tilespmem:s30+$0x90];
	[tilespmem:v56+s19+$0x0] =	vst.idx.msk $0xffff, v50  }
0xe1: {  	v51 =	vadd.s32 v12, v47;
	[tilespmem:v45+s19+$0x0] =	vst.idx.msk $0xffff, v44;
	v50 =	vld [tilespmem:s30+$0xFFFFFF60]  }
0xe2: {  	v56 =	vadd.s32 v15, v53;
	v55 =	vld [tilespmem:s30+$0xFFFFFFA0];
	[tilespmem:v59+s19+$0x0] =	vst.idx.msk $0xffff, v58  }
0xe3: {  	v58 =	vadd.s32 v18, v35;
	[tilespmem:v57+s19+$0x0] =	vst.idx.msk $0xffff, v40;
	v57 =	vld [tilespmem:s30+$0xFFFFFFE0]  }
0xe4: {  	v38 =	vadd.s32 v31, v38;
	[tilespmem:v62+s19+$0x0] =	vst.idx.msk $0xffff, v61;
	v54 =	vld [tilespmem:s30+$0xF0]  }
0xe5: {  	s10 =	simm.s32 $0x9;
	[tilespmem:v60+s19+$0x0] =	vst.idx.msk $0xffff, v63;
	v60 =	vadd.s32 v21, v34;
	v59 =	vld [tilespmem:s30+$0x20]  }
0xe6: {  	s3 =	simm.s32 $0x8;
	v52 =	vmov s10;
	v41 =	vadd.s32 v24, v37;
	[tilespmem:v51+s19+$0x0] =	vst.idx.msk $0xffff, v50;
	v40 =	vld [tilespmem:s30+$0x60]  }
0xe7: {  	s10 =	simm.s32 $0xB;
	v43 =	vadd.s32 v27, v36;
	v48 =	vadd.s32 v9, v33;
	v63 =	vmov s3;
	v42 =	vld [tilespmem:s30+$0xA0];
	[tilespmem:v56+s19+$0x0] =	vst.idx.msk $0xffff, v55  }
0xe8: {  	v44 =	vmov s10;
	s10 =	simm.s32 $0xD;
	v53 =	vadd.s32 v16, v53;
	v45 =	vld [tilespmem:s30+$0xFFFFFF20];
	s3 =	simm.s32 $0xA;
	v39 =	vshrl.u32 v63, $0x3;
	[tilespmem:v58+s19+$0x0] =	vst.idx.msk $0xffff, v57  }
0xe9: {  	v51 =	vadd.s32 v13, v47;
	v49 =	vld [tilespmem:s30+$0xFFFFFF70];
	[tilespmem:v38+s19+$0x0] =	vst.idx.msk $0xffff, v54;
	v54 =	vmov s3;
	s3 =	simm.s32 $0xC;
	v38 =	vmov s10;
	s10 =	simm.s32 $0xE  }
0xea: {  	s31 =	simm.s32 $0x10;
	s0 =	simm.s32 $0xF;
	s29 =	sor.u32 $0x1, s26;
	v47 =	vshll.u32 v39, v32;
	v50 =	vld [tilespmem:s30+$0xFFFFFFB0];
	[tilespmem:v60+s19+$0x0] =	vst.idx.msk $0xffff, v59;
	v46 =	vmov s3;
	v39 =	vmov s10  }
.LBB2_7:
0xeb: {  	p1 =	slt.u32 s31, $0x78;
	v52 =	vshrl.u32 v52, $0x3;
	v55 =	vmov s0;
	v56 =	vld [tilespmem:s30+$0xFFFFFFF0];
	v35 =	vadd.s32 v19, v35;
	[tilespmem:v41+s19+$0x0] =	vst.idx.msk $0xffff, v40  }
0xec: {  	v40 =	vshrl.u32 v54, $0x3;
	v34 =	vadd.s32 v22, v34;
	v41 =	vshrl.u32 v55, $0x3;
	v54 =	vld [tilespmem:s30+$0x30];
	[tilespmem:v43+s19+$0x0] =	vst.idx.msk $0xffff, v42  }
0xed: {  	v37 =	vadd.s32 v25, v37;
	v42 =	vshrl.u32 v44, $0x3;
	v41 =	vshll.u32 v41, v32;
	[tilespmem:v48+s19+$0x0] =	vst.idx.msk $0xffff, v45;
	v43 =	vld [tilespmem:s30+$0x70]  }
0xee: {  	v36 =	vadd.s32 v28, v36;
	v44 =	vshrl.u32 v46, $0x3;
	v41 =	vbroadcast v41, $0x0;
	[tilespmem:v51+s19+$0x0] =	vst.idx.msk $0xffff, v49;
	v45 =	vld [tilespmem:s30+$0xB0]  }
0xef: {  	v46 =	vshll.u32 v52, v32;
	v49 =	vadd.s32 v10, v33;
	v33 =	vbroadcast v47, $0x0;
	v48 =	vld [tilespmem:s30+$0xFFFFFF30];
	[tilespmem:v53+s19+$0x0] =	vst.idx.msk $0xffff, v50;
	s30 =	sadd.s32 $0x200, s30  }
0xf0: {  	v40 =	vshll.u32 v40, v32;
	v47 =	vbroadcast v46, $0x0;
	v46 =	vld [tilespmem:s30+$0xC0];
	v50 =	vadd.s32 v7, v41;
	[tilespmem:v35+s19+$0x0] =	vst.idx.msk $0xffff, v56  }
0xf1: {  	v53 =	vbroadcast v40, $0x0;
	v52 =	vadd.s32 v0, v33;
	v35 =	vshll.u32 v42, v32;
	v51 =	vld [tilespmem:s30+$0xFFFFFF00];
	[tilespmem:v34+s19+$0x0] =	vst.idx.msk $0xffff, v54  }
0xf2: {  	v42 =	vadd.s32 v1, v47;
	v35 =	vbroadcast v35, $0x0;
	v34 =	vshll.u32 v44, v32;
	v40 =	vld [tilespmem:s30+$0xFFFFFF40];
	[tilespmem:v37+s19+$0x0] =	vst.idx.msk $0xffff, v43  }
0xf3: {  	v44 =	vadd.s32 v2, v53;
	v34 =	vbroadcast v34, $0x0;
	v37 =	vshrl.u32 v38, $0x3;
	v43 =	vld [tilespmem:s30+$0xFFFFFF80];
	[tilespmem:v36+s19+$0x0] =	vst.idx.msk $0xffff, v45  }
0xf4: {  	v39 =	vshrl.u32 v39, $0x3;
	v45 =	vadd.s32 v3, v35;
	v36 =	vshll.u32 v37, v32;
	v38 =	vld [tilespmem:s30+$0xFFFFFFC0];
	[tilespmem:v49+s19+$0x0] =	vst.idx.msk $0xffff, v48  }
0xf5: {  	v49 =	vadd.s32 v4, v34;
	v37 =	vbroadcast v36, $0x0;
	v36 =	vshll.u32 v39, v32;
	v48 =	vld [tilespmem:s30+$0x0];
	[tilespmem:v50+s19+$0x0] =	vst.idx.msk $0xffff, v46  }
0xf6: {  	v36 =	vbroadcast v36, $0x0;
	v46 =	vadd.s32 v29, v41;
	[tilespmem:v52+s19+$0x0] =	vst.idx.msk $0xffff, v51;
	v39 =	vld [tilespmem:s30+$0xD0]  }
0xf7: {  	[tilespmem:v42+s19+$0x0] =	vst.idx.msk $0xffff, v40;
	v40 =	vld [tilespmem:s30+$0x40];
	v42 =	vadd.s32 v5, v37  }
0xf8: {  	[tilespmem:v44+s19+$0x0] =	vst.idx.msk $0xffff, v43;
	v43 =	vld [tilespmem:s30+$0x80];
	v44 =	vadd.s32 v6, v36  }
0xf9: {  	v51 =	vadd.s32 v11, v47;
	v50 =	vld [tilespmem:s30+$0xFFFFFF50];
	[tilespmem:v45+s19+$0x0] =	vst.idx.msk $0xffff, v38  }
0xfa: {  	v45 =	vadd.s32 v14, v53;
	v38 =	vld [tilespmem:s30+$0xFFFFFF90];
	[tilespmem:v49+s19+$0x0] =	vst.idx.msk $0xffff, v48  }
0xfb: {  	v49 =	vadd.s32 v17, v35;
	v48 =	vld [tilespmem:s30+$0xFFFFFFD0];
	[tilespmem:v46+s19+$0x0] =	vst.idx.msk $0xffff, v39  }
0xfc: {  	[tilespmem:v42+s19+$0x0] =	vst.idx.msk $0xffff, v40;
	v39 =	vld [tilespmem:s30+$0xE0];
	v40 =	vadd.s32 v30, v41  }
0xfd: {  	v46 =	vadd.s32 v20, v34;
	v42 =	vld [tilespmem:s30+$0x10];
	[tilespmem:v44+s19+$0x0] =	vst.idx.msk $0xffff, v43  }
0xfe: {  	v44 =	vadd.s32 v23, v37;
	[tilespmem:v51+s19+$0x0] =	vst.idx.msk $0xffff, v50;
	v43 =	vld [tilespmem:s30+$0x50]  }
0xff: {  	[tilespmem:v45+s19+$0x0] =	vst.idx.msk $0xffff, v38;
	v38 =	vld [tilespmem:s30+$0x90];
	v45 =	vadd.s32 v26, v36  }
0x100: {  	v51 =	vadd.s32 v8, v33;
	v50 =	vld [tilespmem:s30+$0xFFFFFF10];
	[tilespmem:v49+s19+$0x0] =	vst.idx.msk $0xffff, v48  }
0x101: {  	v49 =	vadd.s32 v12, v47;
	v48 =	vld [tilespmem:s30+$0xFFFFFF60];
	[tilespmem:v40+s19+$0x0] =	vst.idx.msk $0xffff, v39  }
0x102: {  	[tilespmem:v46+s19+$0x0] =	vst.idx.msk $0xffff, v42;
	v39 =	vld [tilespmem:s30+$0xF0];
	v46 =	vadd.s32 v31, v41  }
0x103: {  	v56 =	vadd.s32 v15, v53;
	v55 =	vld [tilespmem:s30+$0xFFFFFFA0];
	[tilespmem:v44+s19+$0x0] =	vst.idx.msk $0xffff, v43  }
0x104: {  	v58 =	vadd.s32 v18, v35;
	v57 =	vld [tilespmem:s30+$0xFFFFFFE0];
	[tilespmem:v45+s19+$0x0] =	vst.idx.msk $0xffff, v38  }
0x105: {  	v60 =	vadd.s32 v21, v34;
	[tilespmem:v51+s19+$0x0] =	vst.idx.msk $0xffff, v50;
	v59 =	vld [tilespmem:s30+$0x20]  }
.Ltmp2:
0x106: {  	s0 =	sadd.s32 $0x1, s31;
	v41 =	vadd.s32 v24, v37;
	v38 =	vmov s31;
	[tilespmem:v49+s19+$0x0] =	vst.idx.msk $0xffff, v48;
	v40 =	vld [tilespmem:s30+$0x60];
	(pc) =	sbr.rel @p1 .LBB2_7-.Ltmp2, $4  }
0x107: {  	s3 =	sadd.s32 $0x3, s31;
	v52 =	vmov s0;
	s0 =	sadd.s32 $0x2, s31;
	v43 =	vadd.s32 v27, v36;
	v50 =	vshrl.u32 v38, $0x3;
	v42 =	vld [tilespmem:s30+$0xA0];
	[tilespmem:v46+s19+$0x0] =	vst.idx.msk $0xffff, v39  }
0x108: {  	v54 =	vmov s0;
	s0 =	sadd.s32 $0x4, s31;
	v44 =	vmov s3;
	s3 =	sadd.s32 $0x5, s31;
	v48 =	vadd.s32 v9, v33;
	v45 =	vld [tilespmem:s30+$0xFFFFFF20];
	[tilespmem:v56+s19+$0x0] =	vst.idx.msk $0xffff, v55  }
0x109: {  	v38 =	vmov s3;
	v51 =	vadd.s32 v13, v47;
	v46 =	vmov s0;
	s0 =	sadd.s32 $0x6, s31;
	v49 =	vld [tilespmem:s30+$0xFFFFFF70];
	[tilespmem:v58+s19+$0x0] =	vst.idx.msk $0xffff, v57  }
0x10a: {  	v53 =	vadd.s32 v16, v53;
	v47 =	vshll.u32 v50, v32;
	v39 =	vmov s0;
	s0 =	sadd.s32 $0x7, s31;
	s31 =	sadd.s32 $0x8, s31;
	v50 =	vld [tilespmem:s30+$0xFFFFFFB0];
	[tilespmem:v60+s19+$0x0] =	vst.idx.msk $0xffff, v59  }
0x10b: {  	_ =	sdelay $0x2  }
0x10c: {  	v52 =	vshrl.u32 v52, $0x3  }
0x10d: {  	v55 =	vmov s0;
	v56 =	vld [tilespmem:s30+$0xFFFFFFF0];
	v35 =	vadd.s32 v19, v35;
	[tilespmem:v41+s19+$0x0] =	vst.idx.msk $0xffff, v40;
	v57 =	vshrl.u32 v54, $0x3  }
0x10e: {  	v59 =	vld [tilespmem:s30+$0x30];
	v34 =	vadd.s32 v22, v34;
	v60 =	vshrl.u32 v44, $0x3;
	v58 =	vshrl.u32 v55, $0x3;
	[tilespmem:v43+s19+$0x0] =	vst.idx.msk $0xffff, v42  }
0x10f: {  	v37 =	vadd.s32 v25, v37;
	v62 =	vshrl.u32 v46, $0x3;
	v61 =	vld [tilespmem:s30+$0x70];
	v41 =	vshll.u32 v58, v32;
	[tilespmem:v48+s19+$0x0] =	vst.idx.msk $0xffff, v45  }
0x110: {  	v36 =	vadd.s32 v28, v36;
	v46 =	vbroadcast v47, $0x0;
	v63 =	vld [tilespmem:s30+$0xB0];
	v41 =	vbroadcast v41, $0x0;
	[tilespmem:v51+s19+$0x0] =	vst.idx.msk $0xffff, v49  }
0x111: {  	v33 =	vadd.s32 v10, v33;
	v38 =	vshrl.u32 v38, $0x3;
	v55 =	vshll.u32 v52, v32;
	v48 =	vld [tilespmem:s30+$0xFFFFFF30];
	s30 =	sadd.s32 $0x200, s30;
	[tilespmem:v53+s19+$0x0] =	vst.idx.msk $0xffff, v50  }
0x112: {  	v40 =	vshll.u32 v57, v32;
	v47 =	vbroadcast v55, $0x0;
	v49 =	vld [tilespmem:s30+$0xC0];
	v50 =	vadd.s32 v7, v41;
	[tilespmem:v35+s19+$0x0] =	vst.idx.msk $0xffff, v56  }
0x113: {  	v42 =	vshll.u32 v60, v32;
	v40 =	vbroadcast v40, $0x0;
	v35 =	vld [tilespmem:s30+$0xFFFFFF00];
	v56 =	vadd.s32 v0, v46;
	[tilespmem:v34+s19+$0x0] =	vst.idx.msk $0xffff, v59  }
0x114: {  	v44 =	vshll.u32 v62, v32;
	v42 =	vbroadcast v42, $0x0;
	v57 =	vld [tilespmem:s30+$0xFFFFFF40];
	v58 =	vadd.s32 v1, v47;
	[tilespmem:v37+s19+$0x0] =	vst.idx.msk $0xffff, v61  }
0x115: {  	v38 =	vshll.u32 v38, v32;
	v44 =	vbroadcast v44, $0x0;
	v60 =	vadd.s32 v2, v40;
	v59 =	vld [tilespmem:s30+$0xFFFFFF80];
	[tilespmem:v36+s19+$0x0] =	vst.idx.msk $0xffff, v63  }
0x116: {  	v38 =	vbroadcast v38, $0x0;
	v62 =	vadd.s32 v3, v42;
	v61 =	vld [tilespmem:s30+$0xFFFFFFC0];
	[tilespmem:v33+s19+$0x0] =	vst.idx.msk $0xffff, v48  }
0x117: {  	v39 =	vshrl.u32 v39, $0x3;
	v63 =	vadd.s32 v4, v44;
	v33 =	vld [tilespmem:s30+$0x0];
	[tilespmem:v50+s19+$0x0] =	vst.idx.msk $0xffff, v49  }
0x118: {  	v39 =	vshll.u32 v39, v32;
	v34 =	vld [tilespmem:s30+$0x40];
	[tilespmem:v56+s19+$0x0] =	vst.idx.msk $0xffff, v35;
	v56 =	vadd.s32 v5, v38  }
0x119: {  	[tilespmem:v58+s19+$0x0] =	vst.idx.msk $0xffff, v57;
	v35 =	vbroadcast v39, $0x0;
	v49 =	vadd.s32 v29, v41;
	v39 =	vld [tilespmem:s30+$0xD0]  }
0x11a: {  	[tilespmem:v60+s19+$0x0] =	vst.idx.msk $0xffff, v59;
	v59 =	vld [tilespmem:s30+$0xFFFFFF50];
	v60 =	vadd.s32 v11, v47  }
0x11b: {  	v57 =	vld [tilespmem:s30+$0x80];
	[tilespmem:v62+s19+$0x0] =	vst.idx.msk $0xffff, v61;
	v58 =	vadd.s32 v6, v35  }
0x11c: {  	v61 =	vld [tilespmem:s30+$0xFFFFFF90];
	v62 =	vadd.s32 v14, v40;
	[tilespmem:v63+s19+$0x0] =	vst.idx.msk $0xffff, v33  }
0x11d: {  	v33 =	vld [tilespmem:s30+$0xFFFFFFD0];
	v63 =	vadd.s32 v17, v42;
	[tilespmem:v56+s19+$0x0] =	vst.idx.msk $0xffff, v34  }
0x11e: {  	v56 =	vadd.s32 v20, v44;
	[tilespmem:v49+s19+$0x0] =	vst.idx.msk $0xffff, v39;
	v49 =	vld [tilespmem:s30+$0x10]  }
0x11f: {  	[tilespmem:v60+s19+$0x0] =	vst.idx.msk $0xffff, v59;
	v39 =	vadd.s32 v30, v41;
	v34 =	vld [tilespmem:s30+$0xE0]  }
0x120: {  	[tilespmem:v58+s19+$0x0] =	vst.idx.msk $0xffff, v57;
	v57 =	vld [tilespmem:s30+$0x50];
	v58 =	vadd.s32 v23, v38  }
0x121: {  	[tilespmem:v62+s19+$0x0] =	vst.idx.msk $0xffff, v61;
	v61 =	vld [tilespmem:s30+$0xFFFFFF10];
	v62 =	vadd.s32 v8, v46  }
0x122: {  	v60 =	vadd.s32 v26, v35;
	v59 =	vld [tilespmem:s30+$0x90];
	[tilespmem:v63+s19+$0x0] =	vst.idx.msk $0xffff, v33  }
0x123: {  	v55 =	vadd.s32 v15, v40;
	v54 =	vadd.s32 v31, v41;
	v41 =	vld [tilespmem:s30+$0xFFFFFFA0];
	[tilespmem:v56+s19+$0x0] =	vst.idx.msk $0xffff, v49  }
0x124: {  	v53 =	vadd.s32 v12, v47;
	v63 =	vld [tilespmem:s30+$0xFFFFFF60];
	[tilespmem:v39+s19+$0x0] =	vst.idx.msk $0xffff, v34  }
0x125: {  	v56 =	vld [tilespmem:s30+$0xFFFFFFE0];
	[tilespmem:v58+s19+$0x0] =	vst.idx.msk $0xffff, v57;
	v57 =	vadd.s32 v18, v42  }
0x126: {  	[tilespmem:v62+s19+$0x0] =	vst.idx.msk $0xffff, v61;
	v34 =	vld [tilespmem:s30+$0xF0]  }
0x127: {  	v58 =	vld [tilespmem:s30+$0x20];
	[tilespmem:v60+s19+$0x0] =	vst.idx.msk $0xffff, v59;
	v59 =	vadd.s32 v21, v44  }
0x128: {  	v61 =	vadd.s32 v24, v38;
	[tilespmem:v55+s19+$0x0] =	vst.idx.msk $0xffff, v41;
	v60 =	vld [tilespmem:s30+$0x60]  }
0x129: {  	[tilespmem:v53+s19+$0x0] =	vst.idx.msk $0xffff, v63;
	v63 =	vadd.s32 v27, v35;
	v62 =	vld [tilespmem:s30+$0xA0]  }
0x12a: {  	v47 =	vadd.s32 v13, v47;
	v55 =	vld [tilespmem:s30+$0xFFFFFF70];
	[tilespmem:v57+s19+$0x0] =	vst.idx.msk $0xffff, v56  }
0x12b: {  	v53 =	vld [tilespmem:s30+$0xFFFFFF20];
	[tilespmem:v54+s19+$0x0] =	vst.idx.msk $0xffff, v34;
	v54 =	vadd.s32 v9, v46  }
0x12c: {  	v40 =	vadd.s32 v16, v40;
	v56 =	vld [tilespmem:s30+$0xFFFFFFB0];
	[tilespmem:v59+s19+$0x0] =	vst.idx.msk $0xffff, v58  }
0x12d: {  	v42 =	vadd.s32 v19, v42;
	v57 =	vld [tilespmem:s30+$0xFFFFFFF0];
	[tilespmem:v61+s19+$0x0] =	vst.idx.msk $0xffff, v60  }
0x12e: {  	v59 =	vadd.s32 v22, v44;
	v58 =	vld [tilespmem:s30+$0x30];
	[tilespmem:v63+s19+$0x0] =	vst.idx.msk $0xffff, v62  }
0x12f: {  	v38 =	vadd.s32 v25, v38;
	v60 =	vld [tilespmem:s30+$0x70];
	[tilespmem:v47+s19+$0x0] =	vst.idx.msk $0xffff, v55  }
0x130: {  	v35 =	vadd.s32 v28, v35;
	v61 =	vld [tilespmem:s30+$0xB0];
	[tilespmem:v54+s19+$0x0] =	vst.idx.msk $0xffff, v53  }
0x131: {  	v63 =	vadd.s32 v10, v46;
	[tilespmem:v40+s19+$0x0] =	vst.idx.msk $0xffff, v56;
	v62 =	vld [tilespmem:s30+$0xFFFFFF30]  }
0x132: {  	[tilespmem:v42+s19+$0x0] =	vst.idx.msk $0xffff, v57  }
0x133: {  	[tilespmem:v59+s19+$0x0] =	vst.idx.msk $0xffff, v58  }
0x134: {  	[tilespmem:v38+s19+$0x0] =	vst.idx.msk $0xffff, v60  }
0x135: {  	[tilespmem:v35+s19+$0x0] =	vst.idx.msk $0xffff, v61  }
0x136: {  	s0 =	sadd.s32 @!p0 $0x280, s28;
	s3 =	simm.s32 @!p0 $0x80;
	s10 =	simm.s32 @!p0 $0x8400;
	[tilespmem:v63+s19+$0x0] =	vst.idx.msk $0xffff, v62  }
0x137: {  	[tilespmem:s10], [sflag:$0x2] =	stream.indirect.gather @!p0 [hbm4b:s4+s3], $0x40, s0, s3, $0xb8;
	[tilespmem:$0x12800] =	vst v63  }
0x138: {  	s3 =	sadd.s32 s5, s29  }
0x139: {  	s10 =	sshll.u32 s3, $0x7  }
0x13a: {  	s0 =	sshll.u32 s3, $0xA;
	s3 =	sand.u32 $0x3E80, s10  }
0x13b: {  	s0 =	sand.u32 $0xFFE0000, s0;
	s3 =	sadd.s32 s1, s3  }
0x13c: {  	s10 =	sadd.s32 s0, s3;
	s3 =	simm.s32 $0x10600  }
0x13d: {  	[hbm4b:s10+s2] =	stream.linear.scatter [tilespmem:s3], [sflag:$0x6], $0x80, $0x38;
	[tilespmem:$0x12800] =	vst v63  }
0x13e: {  	s0 =	simm.s32 $0x10688;
	s3 =	sadd.s32 $0x10, s10  }
0x13f: {  	[hbm4b:s3+s2] =	stream.linear.scatter [tilespmem:s0], [sflag:$0x6], $0x80, $0x38;
	[tilespmem:$0x12800] =	vst v63  }
0x140: {  	s0 =	simm.s32 $0x10710;
	s3 =	sadd.s32 $0x20, s10  }
0x141: {  	[hbm4b:s3+s2] =	stream.linear.scatter [tilespmem:s0], [sflag:$0x6], $0x80, $0x38;
	[tilespmem:$0x12800] =	vst v63  }
0x142: {  	s0 =	simm.s32 $0x10798;
	s3 =	sadd.s32 $0x30, s10  }
0x143: {  	[hbm4b:s3+s2] =	stream.linear.scatter [tilespmem:s0], [sflag:$0x6], $0x80, $0x38;
	[tilespmem:$0x12800] =	vst v63  }
0x144: {  	s0 =	simm.s32 $0x10820;
	s3 =	sadd.s32 $0x40, s10  }
0x145: {  	[hbm4b:s3+s2] =	stream.linear.scatter [tilespmem:s0], [sflag:$0x6], $0x80, $0x38;
	[tilespmem:$0x12800] =	vst v63  }
0x146: {  	s31 =	simm.s32 $0x2200;
	s0 =	simm.s32 $0x108A8;
	s3 =	sadd.s32 $0x50, s10  }
0x147: {  	[hbm4b:s3+s2] =	stream.linear.scatter [tilespmem:s0], [sflag:$0x6], $0x80, $0x38;
	[tilespmem:$0x12800] =	vst v63  }
0x148: {  	s29 =	simm.s32 $0x440;
	s0 =	simm.s32 $0x10930;
	s3 =	sadd.s32 $0x60, s10  }
0x149: {  	[hbm4b:s3+s2] =	stream.linear.scatter [tilespmem:s0], [sflag:$0x6], $0x80, $0x38;
	[tilespmem:$0x12800] =	vst v63  }
0x14a: {  	s30 =	sadd.s32 $0x4000, s10;
	s0 =	simm.s32 $0x109B8;
	s3 =	sadd.s32 $0x70, s10  }
.LBB2_9:
0x14b: {  	[hbm4b:s3+s2] =	stream.linear.scatter [tilespmem:s0], [sflag:$0x6], $0x80, $0x38;
	[tilespmem:$0x12800] =	vst v63  }
0x14c: {  	s0 =	smov.u32 s29;
	s3 =	smov.u32 s31  }
0x14d: {  	s10 =	sadd.s32 $0x1100, s31;
	s29 =	sshra.s32 s3, $0x2;
	s3 =	sadd.s32 $0x10600, s0  }
0x14e: {  	[hbm4b:s30+s2] =	stream.linear.scatter [tilespmem:s3], [sflag:$0x6], $0x80, $0x38;
	[tilespmem:$0x12800] =	vst v63  }
0x14f: {  	p1 =	sne.s32 s31, $0x7700;
	s31 =	sadd.s32 $0x10, s30;
	s3 =	sadd.s32 $0x10688, s0  }
0x150: {  	[hbm4b:s31+s2] =	stream.linear.scatter [tilespmem:s3], [sflag:$0x6], $0x80, $0x38;
	[tilespmem:$0x12800] =	vst v63  }
0x151: {  	s3 =	sadd.s32 $0x10710, s0;
	s31 =	sadd.s32 $0x20, s30  }
0x152: {  	[hbm4b:s31+s2] =	stream.linear.scatter [tilespmem:s3], [sflag:$0x6], $0x80, $0x38;
	[tilespmem:$0x12800] =	vst v63  }
0x153: {  	s3 =	sadd.s32 $0x10798, s0;
	s31 =	sadd.s32 $0x30, s30  }
0x154: {  	[hbm4b:s31+s2] =	stream.linear.scatter [tilespmem:s3], [sflag:$0x6], $0x80, $0x38;
	[tilespmem:$0x12800] =	vst v63  }
0x155: {  	s3 =	sadd.s32 $0x10820, s0;
	s31 =	sadd.s32 $0x40, s30  }
0x156: {  	[hbm4b:s31+s2] =	stream.linear.scatter [tilespmem:s3], [sflag:$0x6], $0x80, $0x38;
	[tilespmem:$0x12800] =	vst v63  }
.Ltmp3:
0x157: {  	s3 =	sadd.s32 $0x108A8, s0;
	s31 =	sadd.s32 $0x50, s30;
	(pc) =	sbr.rel @p1 .LBB2_9-.Ltmp3, $4  }
0x158: {  	[hbm4b:s31+s2] =	stream.linear.scatter [tilespmem:s3], [sflag:$0x6], $0x80, $0x38;
	[tilespmem:$0x12800] =	vst v63  }
0x159: {  	s3 =	sadd.s32 $0x10930, s0;
	s31 =	sadd.s32 $0x60, s30;
	s0 =	sadd.s32 $0x109B8, s0  }
0x15a: {  	[hbm4b:s31+s2] =	stream.linear.scatter [tilespmem:s3], [sflag:$0x6], $0x80, $0x38;
	[tilespmem:$0x12800] =	vst v63  }
0x15b: {  	s3 =	sadd.s32 $0x70, s30;
	s30 =	sadd.s32 $0x4000, s30;
	s31 =	smov.u32 s10  }
0x15c: {  	[hbm4b:s3+s2] =	stream.linear.scatter [tilespmem:s0], [sflag:$0x6], $0x80, $0x38;
	[tilespmem:$0x12800] =	vst v63  }
0x15d: {  	s3 =	sadd.s32 $0x10600, s29  }
0x15e: {  	[hbm4b:s30+s2] =	stream.linear.scatter [tilespmem:s3], [sflag:$0x6], $0x80, $0x38;
	[tilespmem:$0x12800] =	vst v63  }
0x15f: {  	s10 =	sadd.s32 $0x10688, s29;
	s31 =	sadd.s32 $0x10, s30  }
0x160: {  	[hbm4b:s31+s2] =	stream.linear.scatter [tilespmem:s10], [sflag:$0x6], $0x80, $0x38;
	[tilespmem:$0x12800] =	vst v63  }
0x161: {  	s10 =	sadd.s32 $0x10710, s29;
	s31 =	sadd.s32 $0x20, s30  }
0x162: {  	[hbm4b:s31+s2] =	stream.linear.scatter [tilespmem:s10], [sflag:$0x6], $0x80, $0x38;
	[tilespmem:$0x12800] =	vst v63  }
0x163: {  	s10 =	sadd.s32 $0x10798, s29;
	s31 =	sadd.s32 $0x30, s30  }
0x164: {  	[hbm4b:s31+s2] =	stream.linear.scatter [tilespmem:s10], [sflag:$0x6], $0x80, $0x38;
	[tilespmem:$0x12800] =	vst v63  }
0x165: {  	s10 =	sadd.s32 $0x10820, s29;
	s31 =	sadd.s32 $0x40, s30  }
0x166: {  	[hbm4b:s31+s2] =	stream.linear.scatter [tilespmem:s10], [sflag:$0x6], $0x80, $0x38;
	[tilespmem:$0x12800] =	vst v63  }
0x167: {  	s10 =	sadd.s32 $0x108A8, s29;
	s31 =	sadd.s32 $0x50, s30  }
0x168: {  	[hbm4b:s31+s2] =	stream.linear.scatter [tilespmem:s10], [sflag:$0x6], $0x80, $0x38;
	[tilespmem:$0x12800] =	vst v63  }
0x169: {  	s10 =	sadd.s32 $0x10930, s29;
	s31 =	sadd.s32 $0x60, s30  }
0x16a: {  	[hbm4b:s31+s2] =	stream.linear.scatter [tilespmem:s10], [sflag:$0x6], $0x80, $0x38;
	[tilespmem:$0x12800] =	vst v63  }
0x16b: {  	s31 =	simm.s32 $0x0  }
0x16c: {  	s3 =	sadd.s32 $0x109B8, s29;
	s10 =	sadd.s32 $0x70, s30;
	v33 =	vmov s31;
	s31 =	simm.s32 $0x3  }
0x16d: {  	[hbm4b:s10+s2] =	stream.linear.scatter [tilespmem:s3], [sflag:$0x6], $0x80, $0x38;
	[tilespmem:$0x12800] =	vst v63  }
0x16e: {  	s3 =	simm.s32 $0x1;
	s10 =	simm.s32 $0x2;
	v33 =	vshrl.u32 v33, $0x3;
	v36 =	vmov s31;
	s31 =	simm.s32 $0x5  }
0x16f: {  	_ =	swait.ge [sflag:s20], $0x2000;
	v34 =	vmov s3;
	v35 =	vmov s10;
	s10 =	simm.s32 $0x7;
	v39 =	vmov s31  }
0x170: {  	s3 =	simm.s32 $0x4;
	v33 =	vshll.u32 v33, v32;
	v36 =	vshrl.u32 v36, $0x3;
	[sflag:s20] =	ssyncset.done $0x0;
	v38 =	vmov s10  }
0x171: {  	v37 =	vmov s3;
	v34 =	vshrl.u32 v34, $0x3;
	[sflag:s20] =	ssyncadd.s32 $0xFFFFE000;
	v38 =	vshrl.u32 v38, $0x3  }
0x172: {  	v35 =	vshrl.u32 v35, $0x3;
	v33 =	vbroadcast v33, $0x0;
	_ =	swait.ge [sflag:s21], $0x2000;
	v38 =	vshll.u32 v38, v32  }
0x173: {  	s10 =	simm.s32 $0x6;
	v53 =	vshll.u32 v36, v32;
	v55 =	vshrl.u32 v39, $0x3;
	[sflag:s21] =	ssyncset.done $0x0;
	v38 =	vbroadcast v38, $0x0  }
0x174: {  	s29 =	simm.s32 $0xA500;
	v40 =	vmov s10;
	v37 =	vshrl.u32 v37, $0x3;
	v34 =	vshll.u32 v34, v32;
	[sflag:s21] =	ssyncadd.s32 $0xFFFFE000  }
0x175: {  	v52 =	vshll.u32 v35, v32;
	v45 =	vbroadcast v34, $0x0;
	v41 =	vld [tilespmem:s29+$0xC0];
	v42 =	vadd.s32 v7, v38  }
0x176: {  	v35 =	vbroadcast v53, $0x0;
	v44 =	vadd.s32 v0, v33;
	v52 =	vbroadcast v52, $0x0;
	v43 =	vld [tilespmem:s29+$0xFFFFFF00]  }
0x177: {  	v36 =	vshll.u32 v55, v32;
	v54 =	vshll.u32 v37, v32;
	v47 =	vadd.s32 v1, v45;
	v46 =	vld [tilespmem:s29+$0xFFFFFF40]  }
0x178: {  	v40 =	vshrl.u32 v40, $0x3;
	v34 =	vbroadcast v54, $0x0;
	v49 =	vadd.s32 v2, v52;
	v48 =	vld [tilespmem:s29+$0xFFFFFF80]  }
0x179: {  	v37 =	vbroadcast v36, $0x0;
	v50 =	vadd.s32 v3, v35;
	v56 =	vshll.u32 v40, v32;
	v39 =	vld [tilespmem:s29+$0xFFFFFFC0]  }
0x17a: {  	v36 =	vbroadcast v56, $0x0;
	v51 =	vld [tilespmem:s29+$0x0];
	v53 =	vadd.s32 v4, v34;
	[tilespmem:v42+s17+$0x0] =	vst.idx.msk $0xffff, v41  }
0x17b: {  	v60 =	vadd.s32 v5, v37;
	v59 =	vld [tilespmem:s29+$0x40];
	[tilespmem:v44+s17+$0x0] =	vst.idx.msk $0xffff, v43  }
0x17c: {  	v61 =	vld [tilespmem:s29+$0x80];
	v62 =	vadd.s32 v6, v36;
	[tilespmem:v47+s17+$0x0] =	vst.idx.msk $0xffff, v46  }
0x17d: {  	v58 =	vadd.s32 v29, v38;
	[tilespmem:v49+s17+$0x0] =	vst.idx.msk $0xffff, v48;
	v57 =	vld [tilespmem:s29+$0xD0]  }
0x17e: {  	v63 =	vadd.s32 v11, v45;
	[tilespmem:v50+s17+$0x0] =	vst.idx.msk $0xffff, v39;
	v47 =	vld [tilespmem:s29+$0xFFFFFF50]  }
0x17f: {  	v55 =	vadd.s32 v14, v52;
	[tilespmem:v53+s17+$0x0] =	vst.idx.msk $0xffff, v51;
	v54 =	vld [tilespmem:s29+$0xFFFFFF90]  }
0x180: {  	v56 =	vadd.s32 v17, v35;
	[tilespmem:v60+s17+$0x0] =	vst.idx.msk $0xffff, v59;
	v50 =	vld [tilespmem:s29+$0xFFFFFFD0]  }
0x181: {  	v46 =	vadd.s32 v23, v37;
	[tilespmem:v62+s17+$0x0] =	vst.idx.msk $0xffff, v61;
	v44 =	vld [tilespmem:s29+$0x50]  }
0x182: {  	v59 =	vadd.s32 v20, v34;
	[tilespmem:v58+s17+$0x0] =	vst.idx.msk $0xffff, v57;
	v58 =	vld [tilespmem:s29+$0x10]  }
0x183: {  	v57 =	vadd.s32 v30, v38;
	[tilespmem:v63+s17+$0x0] =	vst.idx.msk $0xffff, v47;
	v40 =	vld [tilespmem:s29+$0xE0]  }
0x184: {  	v61 =	vld [tilespmem:s29+$0xFFFFFF10];
	v62 =	vadd.s32 v8, v33;
	[tilespmem:v55+s17+$0x0] =	vst.idx.msk $0xffff, v54  }
0x185: {  	v60 =	vadd.s32 v26, v36;
	v63 =	vld [tilespmem:s29+$0x90];
	[tilespmem:v56+s17+$0x0] =	vst.idx.msk $0xffff, v50  }
0x186: {  	v51 =	vadd.s32 v12, v45;
	[tilespmem:v46+s17+$0x0] =	vst.idx.msk $0xffff, v44;
	v50 =	vld [tilespmem:s29+$0xFFFFFF60]  }
0x187: {  	v56 =	vadd.s32 v15, v52;
	v55 =	vld [tilespmem:s29+$0xFFFFFFA0];
	[tilespmem:v59+s17+$0x0] =	vst.idx.msk $0xffff, v58  }
0x188: {  	v58 =	vadd.s32 v18, v35;
	[tilespmem:v57+s17+$0x0] =	vst.idx.msk $0xffff, v40;
	v57 =	vld [tilespmem:s29+$0xFFFFFFE0]  }
0x189: {  	v38 =	vadd.s32 v31, v38;
	[tilespmem:v62+s17+$0x0] =	vst.idx.msk $0xffff, v61;
	v54 =	vld [tilespmem:s29+$0xF0]  }
0x18a: {  	s3 =	simm.s32 $0x9;
	[tilespmem:v60+s17+$0x0] =	vst.idx.msk $0xffff, v63;
	v60 =	vadd.s32 v21, v34;
	v59 =	vld [tilespmem:s29+$0x20]  }
0x18b: {  	s31 =	simm.s32 $0x8;
	v41 =	vadd.s32 v24, v37;
	v53 =	vmov s3;
	[tilespmem:v51+s17+$0x0] =	vst.idx.msk $0xffff, v50;
	v40 =	vld [tilespmem:s29+$0x60]  }
0x18c: {  	v43 =	vadd.s32 v27, v36;
	s3 =	simm.s32 $0xC;
	v48 =	vadd.s32 v9, v33;
	v63 =	vmov s31;
	v42 =	vld [tilespmem:s29+$0xA0];
	[tilespmem:v56+s17+$0x0] =	vst.idx.msk $0xffff, v55  }
0x18d: {  	s10 =	simm.s32 $0xA;
	v47 =	vmov s3;
	v52 =	vadd.s32 v16, v52;
	v46 =	vld [tilespmem:s29+$0xFFFFFF20];
	s31 =	simm.s32 $0xB;
	v39 =	vshrl.u32 v63, $0x3;
	[tilespmem:v58+s17+$0x0] =	vst.idx.msk $0xffff, v57  }
0x18e: {  	v44 =	vmov s31;
	s31 =	simm.s32 $0xE;
	v51 =	vadd.s32 v13, v45;
	v49 =	vld [tilespmem:s29+$0xFFFFFF70];
	[tilespmem:v38+s17+$0x0] =	vst.idx.msk $0xffff, v54;
	v54 =	vmov s10;
	s10 =	simm.s32 $0xD  }
0x18f: {  	s0 =	simm.s32 $0xF;
	s30 =	simm.s32 $0x10;
	v45 =	vshll.u32 v39, v32;
	v39 =	vmov s31;
	v50 =	vld [tilespmem:s29+$0xFFFFFFB0];
	[tilespmem:v60+s17+$0x0] =	vst.idx.msk $0xffff, v59;
	v38 =	vmov s10  }
.LBB2_11:
0x190: {  	p1 =	slt.u32 s30, $0x78;
	v53 =	vshrl.u32 v53, $0x3;
	v55 =	vmov s0;
	v56 =	vld [tilespmem:s29+$0xFFFFFFF0];
	v35 =	vadd.s32 v19, v35;
	[tilespmem:v41+s17+$0x0] =	vst.idx.msk $0xffff, v40  }
0x191: {  	v40 =	vshrl.u32 v54, $0x3;
	v34 =	vadd.s32 v22, v34;
	v41 =	vshrl.u32 v55, $0x3;
	v54 =	vld [tilespmem:s29+$0x30];
	[tilespmem:v43+s17+$0x0] =	vst.idx.msk $0xffff, v42  }
0x192: {  	v37 =	vadd.s32 v25, v37;
	v42 =	vshrl.u32 v44, $0x3;
	v41 =	vshll.u32 v41, v32;
	[tilespmem:v48+s17+$0x0] =	vst.idx.msk $0xffff, v46;
	v43 =	vld [tilespmem:s29+$0x70]  }
0x193: {  	v36 =	vadd.s32 v28, v36;
	v44 =	vshrl.u32 v47, $0x3;
	v41 =	vbroadcast v41, $0x0;
	[tilespmem:v51+s17+$0x0] =	vst.idx.msk $0xffff, v49;
	v46 =	vld [tilespmem:s29+$0xB0]  }
0x194: {  	v47 =	vshll.u32 v53, v32;
	v49 =	vadd.s32 v10, v33;
	v33 =	vbroadcast v45, $0x0;
	v48 =	vld [tilespmem:s29+$0xFFFFFF30];
	[tilespmem:v52+s17+$0x0] =	vst.idx.msk $0xffff, v50;
	s29 =	sadd.s32 $0x200, s29  }
0x195: {  	v40 =	vshll.u32 v40, v32;
	v45 =	vbroadcast v47, $0x0;
	v47 =	vld [tilespmem:s29+$0xC0];
	v50 =	vadd.s32 v7, v41;
	[tilespmem:v35+s17+$0x0] =	vst.idx.msk $0xffff, v56  }
0x196: {  	v55 =	vbroadcast v40, $0x0;
	v52 =	vadd.s32 v0, v33;
	v35 =	vshll.u32 v42, v32;
	v51 =	vld [tilespmem:s29+$0xFFFFFF00];
	[tilespmem:v34+s17+$0x0] =	vst.idx.msk $0xffff, v54  }
0x197: {  	v42 =	vadd.s32 v1, v45;
	v35 =	vbroadcast v35, $0x0;
	v34 =	vshll.u32 v44, v32;
	v40 =	vld [tilespmem:s29+$0xFFFFFF40];
	[tilespmem:v37+s17+$0x0] =	vst.idx.msk $0xffff, v43  }
0x198: {  	v44 =	vadd.s32 v2, v55;
	v34 =	vbroadcast v34, $0x0;
	v37 =	vshrl.u32 v38, $0x3;
	v43 =	vld [tilespmem:s29+$0xFFFFFF80];
	[tilespmem:v36+s17+$0x0] =	vst.idx.msk $0xffff, v46  }
0x199: {  	v39 =	vshrl.u32 v39, $0x3;
	v46 =	vadd.s32 v3, v35;
	v36 =	vshll.u32 v37, v32;
	v38 =	vld [tilespmem:s29+$0xFFFFFFC0];
	[tilespmem:v49+s17+$0x0] =	vst.idx.msk $0xffff, v48  }
0x19a: {  	v49 =	vadd.s32 v4, v34;
	v37 =	vbroadcast v36, $0x0;
	v36 =	vshll.u32 v39, v32;
	v48 =	vld [tilespmem:s29+$0x0];
	[tilespmem:v50+s17+$0x0] =	vst.idx.msk $0xffff, v47  }
0x19b: {  	v36 =	vbroadcast v36, $0x0;
	v47 =	vadd.s32 v29, v41;
	[tilespmem:v52+s17+$0x0] =	vst.idx.msk $0xffff, v51;
	v39 =	vld [tilespmem:s29+$0xD0]  }
0x19c: {  	[tilespmem:v42+s17+$0x0] =	vst.idx.msk $0xffff, v40;
	v40 =	vld [tilespmem:s29+$0x40];
	v42 =	vadd.s32 v5, v37  }
0x19d: {  	[tilespmem:v44+s17+$0x0] =	vst.idx.msk $0xffff, v43;
	v43 =	vld [tilespmem:s29+$0x80];
	v44 =	vadd.s32 v6, v36  }
0x19e: {  	v51 =	vadd.s32 v11, v45;
	v50 =	vld [tilespmem:s29+$0xFFFFFF50];
	[tilespmem:v46+s17+$0x0] =	vst.idx.msk $0xffff, v38  }
0x19f: {  	v46 =	vadd.s32 v14, v55;
	v38 =	vld [tilespmem:s29+$0xFFFFFF90];
	[tilespmem:v49+s17+$0x0] =	vst.idx.msk $0xffff, v48  }
0x1a0: {  	v49 =	vadd.s32 v17, v35;
	v48 =	vld [tilespmem:s29+$0xFFFFFFD0];
	[tilespmem:v47+s17+$0x0] =	vst.idx.msk $0xffff, v39  }
0x1a1: {  	[tilespmem:v42+s17+$0x0] =	vst.idx.msk $0xffff, v40;
	v39 =	vld [tilespmem:s29+$0xE0];
	v40 =	vadd.s32 v30, v41  }
0x1a2: {  	v47 =	vadd.s32 v20, v34;
	v42 =	vld [tilespmem:s29+$0x10];
	[tilespmem:v44+s17+$0x0] =	vst.idx.msk $0xffff, v43  }
0x1a3: {  	v44 =	vadd.s32 v23, v37;
	[tilespmem:v51+s17+$0x0] =	vst.idx.msk $0xffff, v50;
	v43 =	vld [tilespmem:s29+$0x50]  }
0x1a4: {  	[tilespmem:v46+s17+$0x0] =	vst.idx.msk $0xffff, v38;
	v38 =	vld [tilespmem:s29+$0x90];
	v46 =	vadd.s32 v26, v36  }
0x1a5: {  	v51 =	vadd.s32 v8, v33;
	v50 =	vld [tilespmem:s29+$0xFFFFFF10];
	[tilespmem:v49+s17+$0x0] =	vst.idx.msk $0xffff, v48  }
0x1a6: {  	v49 =	vadd.s32 v12, v45;
	v48 =	vld [tilespmem:s29+$0xFFFFFF60];
	[tilespmem:v40+s17+$0x0] =	vst.idx.msk $0xffff, v39  }
0x1a7: {  	[tilespmem:v47+s17+$0x0] =	vst.idx.msk $0xffff, v42;
	v39 =	vld [tilespmem:s29+$0xF0];
	v47 =	vadd.s32 v31, v41  }
0x1a8: {  	v56 =	vadd.s32 v15, v55;
	v52 =	vld [tilespmem:s29+$0xFFFFFFA0];
	[tilespmem:v44+s17+$0x0] =	vst.idx.msk $0xffff, v43  }
0x1a9: {  	v58 =	vadd.s32 v18, v35;
	v57 =	vld [tilespmem:s29+$0xFFFFFFE0];
	[tilespmem:v46+s17+$0x0] =	vst.idx.msk $0xffff, v38  }
0x1aa: {  	v60 =	vadd.s32 v21, v34;
	[tilespmem:v51+s17+$0x0] =	vst.idx.msk $0xffff, v50;
	v59 =	vld [tilespmem:s29+$0x20]  }
.Ltmp4:
0x1ab: {  	s0 =	sadd.s32 $0x1, s30;
	v41 =	vadd.s32 v24, v37;
	v38 =	vmov s30;
	[tilespmem:v49+s17+$0x0] =	vst.idx.msk $0xffff, v48;
	v40 =	vld [tilespmem:s29+$0x60];
	(pc) =	sbr.rel @p1 .LBB2_11-.Ltmp4, $4  }
0x1ac: {  	s3 =	sadd.s32 $0x3, s30;
	v53 =	vmov s0;
	s0 =	sadd.s32 $0x2, s30;
	v43 =	vadd.s32 v27, v36;
	v50 =	vshrl.u32 v38, $0x3;
	v42 =	vld [tilespmem:s29+$0xA0];
	[tilespmem:v47+s17+$0x0] =	vst.idx.msk $0xffff, v39  }
0x1ad: {  	v54 =	vmov s0;
	s0 =	sadd.s32 $0x4, s30;
	v44 =	vmov s3;
	s3 =	sadd.s32 $0x5, s30;
	v48 =	vadd.s32 v9, v33;
	v46 =	vld [tilespmem:s29+$0xFFFFFF20];
	[tilespmem:v56+s17+$0x0] =	vst.idx.msk $0xffff, v52  }
0x1ae: {  	v38 =	vmov s3;
	v51 =	vadd.s32 v13, v45;
	v47 =	vmov s0;
	s0 =	sadd.s32 $0x6, s30;
	v49 =	vld [tilespmem:s29+$0xFFFFFF70];
	[tilespmem:v58+s17+$0x0] =	vst.idx.msk $0xffff, v57  }
0x1af: {  	v45 =	vshll.u32 v50, v32;
	v39 =	vmov s0;
	s0 =	sadd.s32 $0x7, s30;
	s30 =	sadd.s32 $0x8, s30;
	v52 =	vadd.s32 v16, v55;
	v50 =	vld [tilespmem:s29+$0xFFFFFFB0];
	[tilespmem:v60+s17+$0x0] =	vst.idx.msk $0xffff, v59  }
0x1b0: {  	_ =	sdelay $0x2  }
0x1b1: {  	v53 =	vshrl.u32 v53, $0x3  }
0x1b2: {  	v55 =	vmov s0;
	v56 =	vld [tilespmem:s29+$0xFFFFFFF0];
	v35 =	vadd.s32 v19, v35;
	[tilespmem:v41+s17+$0x0] =	vst.idx.msk $0xffff, v40;
	v57 =	vshrl.u32 v54, $0x3  }
0x1b3: {  	v59 =	vld [tilespmem:s29+$0x30];
	v34 =	vadd.s32 v22, v34;
	v60 =	vshrl.u32 v44, $0x3;
	v58 =	vshrl.u32 v55, $0x3;
	[tilespmem:v43+s17+$0x0] =	vst.idx.msk $0xffff, v42  }
0x1b4: {  	v37 =	vadd.s32 v25, v37;
	v62 =	vshrl.u32 v47, $0x3;
	v61 =	vld [tilespmem:s29+$0x70];
	v41 =	vshll.u32 v58, v32;
	[tilespmem:v48+s17+$0x0] =	vst.idx.msk $0xffff, v46  }
0x1b5: {  	v36 =	vadd.s32 v28, v36;
	v45 =	vbroadcast v45, $0x0;
	v63 =	vld [tilespmem:s29+$0xB0];
	v41 =	vbroadcast v41, $0x0;
	[tilespmem:v51+s17+$0x0] =	vst.idx.msk $0xffff, v49  }
0x1b6: {  	v33 =	vadd.s32 v10, v33;
	v38 =	vshrl.u32 v38, $0x3;
	v55 =	vshll.u32 v53, v32;
	v48 =	vld [tilespmem:s29+$0xFFFFFF30];
	s29 =	sadd.s32 $0x200, s29;
	[tilespmem:v52+s17+$0x0] =	vst.idx.msk $0xffff, v50  }
0x1b7: {  	v40 =	vshll.u32 v57, v32;
	v47 =	vbroadcast v55, $0x0;
	v49 =	vld [tilespmem:s29+$0xC0];
	v50 =	vadd.s32 v7, v41;
	[tilespmem:v35+s17+$0x0] =	vst.idx.msk $0xffff, v56  }
0x1b8: {  	v42 =	vshll.u32 v60, v32;
	v40 =	vbroadcast v40, $0x0;
	v35 =	vld [tilespmem:s29+$0xFFFFFF00];
	v56 =	vadd.s32 v0, v45;
	[tilespmem:v34+s17+$0x0] =	vst.idx.msk $0xffff, v59  }
0x1b9: {  	v44 =	vshll.u32 v62, v32;
	v42 =	vbroadcast v42, $0x0;
	v57 =	vld [tilespmem:s29+$0xFFFFFF40];
	v58 =	vadd.s32 v1, v47;
	[tilespmem:v37+s17+$0x0] =	vst.idx.msk $0xffff, v61  }
0x1ba: {  	v38 =	vshll.u32 v38, v32;
	v44 =	vbroadcast v44, $0x0;
	v60 =	vadd.s32 v2, v40;
	v59 =	vld [tilespmem:s29+$0xFFFFFF80];
	[tilespmem:v36+s17+$0x0] =	vst.idx.msk $0xffff, v63  }
0x1bb: {  	v38 =	vbroadcast v38, $0x0;
	v62 =	vadd.s32 v3, v42;
	v61 =	vld [tilespmem:s29+$0xFFFFFFC0];
	[tilespmem:v33+s17+$0x0] =	vst.idx.msk $0xffff, v48  }
0x1bc: {  	v39 =	vshrl.u32 v39, $0x3;
	v63 =	vadd.s32 v4, v44;
	v33 =	vld [tilespmem:s29+$0x0];
	[tilespmem:v50+s17+$0x0] =	vst.idx.msk $0xffff, v49  }
0x1bd: {  	v39 =	vshll.u32 v39, v32;
	v34 =	vld [tilespmem:s29+$0x40];
	[tilespmem:v56+s17+$0x0] =	vst.idx.msk $0xffff, v35;
	v56 =	vadd.s32 v5, v38  }
0x1be: {  	[tilespmem:v58+s17+$0x0] =	vst.idx.msk $0xffff, v57;
	v35 =	vbroadcast v39, $0x0;
	v49 =	vadd.s32 v29, v41;
	v39 =	vld [tilespmem:s29+$0xD0]  }
0x1bf: {  	[tilespmem:v60+s17+$0x0] =	vst.idx.msk $0xffff, v59;
	v59 =	vld [tilespmem:s29+$0xFFFFFF50];
	v60 =	vadd.s32 v11, v47  }
0x1c0: {  	v57 =	vld [tilespmem:s29+$0x80];
	[tilespmem:v62+s17+$0x0] =	vst.idx.msk $0xffff, v61;
	v58 =	vadd.s32 v6, v35  }
0x1c1: {  	v61 =	vld [tilespmem:s29+$0xFFFFFF90];
	v62 =	vadd.s32 v14, v40;
	[tilespmem:v63+s17+$0x0] =	vst.idx.msk $0xffff, v33  }
0x1c2: {  	v33 =	vld [tilespmem:s29+$0xFFFFFFD0];
	v63 =	vadd.s32 v17, v42;
	[tilespmem:v56+s17+$0x0] =	vst.idx.msk $0xffff, v34  }
0x1c3: {  	v56 =	vadd.s32 v20, v44;
	[tilespmem:v49+s17+$0x0] =	vst.idx.msk $0xffff, v39;
	v49 =	vld [tilespmem:s29+$0x10]  }
0x1c4: {  	[tilespmem:v60+s17+$0x0] =	vst.idx.msk $0xffff, v59;
	v39 =	vadd.s32 v30, v41;
	v34 =	vld [tilespmem:s29+$0xE0]  }
0x1c5: {  	[tilespmem:v58+s17+$0x0] =	vst.idx.msk $0xffff, v57;
	v57 =	vld [tilespmem:s29+$0x50];
	v58 =	vadd.s32 v23, v38  }
0x1c6: {  	[tilespmem:v62+s17+$0x0] =	vst.idx.msk $0xffff, v61;
	v61 =	vld [tilespmem:s29+$0xFFFFFF10];
	v62 =	vadd.s32 v8, v45  }
0x1c7: {  	v60 =	vadd.s32 v26, v35;
	v59 =	vld [tilespmem:s29+$0x90];
	[tilespmem:v63+s17+$0x0] =	vst.idx.msk $0xffff, v33  }
0x1c8: {  	v55 =	vadd.s32 v15, v40;
	v54 =	vadd.s32 v31, v41;
	v41 =	vld [tilespmem:s29+$0xFFFFFFA0];
	[tilespmem:v56+s17+$0x0] =	vst.idx.msk $0xffff, v49  }
0x1c9: {  	v53 =	vadd.s32 v12, v47;
	v63 =	vld [tilespmem:s29+$0xFFFFFF60];
	[tilespmem:v39+s17+$0x0] =	vst.idx.msk $0xffff, v34  }
0x1ca: {  	v56 =	vld [tilespmem:s29+$0xFFFFFFE0];
	[tilespmem:v58+s17+$0x0] =	vst.idx.msk $0xffff, v57;
	v57 =	vadd.s32 v18, v42  }
0x1cb: {  	[tilespmem:v62+s17+$0x0] =	vst.idx.msk $0xffff, v61;
	v34 =	vld [tilespmem:s29+$0xF0]  }
0x1cc: {  	v58 =	vld [tilespmem:s29+$0x20];
	[tilespmem:v60+s17+$0x0] =	vst.idx.msk $0xffff, v59;
	v59 =	vadd.s32 v21, v44  }
0x1cd: {  	v61 =	vadd.s32 v24, v38;
	[tilespmem:v55+s17+$0x0] =	vst.idx.msk $0xffff, v41;
	v60 =	vld [tilespmem:s29+$0x60]  }
0x1ce: {  	[tilespmem:v53+s17+$0x0] =	vst.idx.msk $0xffff, v63;
	v63 =	vadd.s32 v27, v35;
	v62 =	vld [tilespmem:s29+$0xA0]  }
0x1cf: {  	v47 =	vadd.s32 v13, v47;
	v55 =	vld [tilespmem:s29+$0xFFFFFF70];
	[tilespmem:v57+s17+$0x0] =	vst.idx.msk $0xffff, v56  }
0x1d0: {  	v53 =	vld [tilespmem:s29+$0xFFFFFF20];
	[tilespmem:v54+s17+$0x0] =	vst.idx.msk $0xffff, v34;
	v54 =	vadd.s32 v9, v45  }
0x1d1: {  	v40 =	vadd.s32 v16, v40;
	v56 =	vld [tilespmem:s29+$0xFFFFFFB0];
	[tilespmem:v59+s17+$0x0] =	vst.idx.msk $0xffff, v58  }
0x1d2: {  	v42 =	vadd.s32 v19, v42;
	v57 =	vld [tilespmem:s29+$0xFFFFFFF0];
	[tilespmem:v61+s17+$0x0] =	vst.idx.msk $0xffff, v60  }
0x1d3: {  	v59 =	vadd.s32 v22, v44;
	v58 =	vld [tilespmem:s29+$0x30];
	[tilespmem:v63+s17+$0x0] =	vst.idx.msk $0xffff, v62  }
0x1d4: {  	v38 =	vadd.s32 v25, v38;
	v60 =	vld [tilespmem:s29+$0x70];
	[tilespmem:v47+s17+$0x0] =	vst.idx.msk $0xffff, v55  }
0x1d5: {  	v35 =	vadd.s32 v28, v35;
	v61 =	vld [tilespmem:s29+$0xB0];
	[tilespmem:v54+s17+$0x0] =	vst.idx.msk $0xffff, v53  }
0x1d6: {  	v63 =	vadd.s32 v10, v45;
	[tilespmem:v40+s17+$0x0] =	vst.idx.msk $0xffff, v56;
	v62 =	vld [tilespmem:s29+$0xFFFFFF30]  }
0x1d7: {  	[tilespmem:v42+s17+$0x0] =	vst.idx.msk $0xffff, v57  }
0x1d8: {  	[tilespmem:v59+s17+$0x0] =	vst.idx.msk $0xffff, v58  }
0x1d9: {  	[tilespmem:v38+s17+$0x0] =	vst.idx.msk $0xffff, v60  }
0x1da: {  	s0 =	sor.u32 $0x2, s26;
	s3 =	sadd.s32 @!p0 $0x300, s28;
	[tilespmem:v35+s17+$0x0] =	vst.idx.msk $0xffff, v61  }
0x1db: {  	s10 =	simm.s32 @!p0 $0x80;
	s0 =	sadd.s32 s5, s0;
	s29 =	simm.s32 @!p0 $0xA400;
	[tilespmem:v63+s17+$0x0] =	vst.idx.msk $0xffff, v62  }
0x1dc: {  	[tilespmem:s29], [sflag:$0x3] =	stream.indirect.gather @!p0 [hbm4b:s4+s10], $0x40, s3, s10, $0xb8;
	[tilespmem:$0x12800] =	vst v63  }
0x1dd: {  	s10 =	sshll.u32 s0, $0x7  }
0x1de: {  	s0 =	sshll.u32 s0, $0xA;
	s3 =	sand.u32 $0x3F00, s10  }
0x1df: {  	s0 =	sand.u32 $0xFFE0000, s0;
	s3 =	sadd.s32 s1, s3  }
0x1e0: {  	s10 =	sadd.s32 s0, s3;
	s3 =	simm.s32 $0xE400  }
0x1e1: {  	[hbm4b:s10+s2] =	stream.linear.scatter [tilespmem:s3], [sflag:$0x5], $0x80, $0x38;
	[tilespmem:$0x12800] =	vst v63  }
0x1e2: {  	s0 =	simm.s32 $0xE488;
	s3 =	sadd.s32 $0x10, s10  }
0x1e3: {  	[hbm4b:s3+s2] =	stream.linear.scatter [tilespmem:s0], [sflag:$0x5], $0x80, $0x38;
	[tilespmem:$0x12800] =	vst v63  }
0x1e4: {  	s0 =	simm.s32 $0xE510;
	s3 =	sadd.s32 $0x20, s10  }
0x1e5: {  	[hbm4b:s3+s2] =	stream.linear.scatter [tilespmem:s0], [sflag:$0x5], $0x80, $0x38;
	[tilespmem:$0x12800] =	vst v63  }
0x1e6: {  	s0 =	simm.s32 $0xE598;
	s3 =	sadd.s32 $0x30, s10  }
0x1e7: {  	[hbm4b:s3+s2] =	stream.linear.scatter [tilespmem:s0], [sflag:$0x5], $0x80, $0x38;
	[tilespmem:$0x12800] =	vst v63  }
0x1e8: {  	s0 =	simm.s32 $0xE620;
	s3 =	sadd.s32 $0x40, s10  }
0x1e9: {  	[hbm4b:s3+s2] =	stream.linear.scatter [tilespmem:s0], [sflag:$0x5], $0x80, $0x38;
	[tilespmem:$0x12800] =	vst v63  }
0x1ea: {  	s31 =	simm.s32 $0x2200;
	s0 =	simm.s32 $0xE6A8;
	s3 =	sadd.s32 $0x50, s10  }
0x1eb: {  	[hbm4b:s3+s2] =	stream.linear.scatter [tilespmem:s0], [sflag:$0x5], $0x80, $0x38;
	[tilespmem:$0x12800] =	vst v63  }
0x1ec: {  	s29 =	simm.s32 $0x440;
	s0 =	simm.s32 $0xE730;
	s3 =	sadd.s32 $0x60, s10  }
0x1ed: {  	[hbm4b:s3+s2] =	stream.linear.scatter [tilespmem:s0], [sflag:$0x5], $0x80, $0x38;
	[tilespmem:$0x12800] =	vst v63  }
0x1ee: {  	s30 =	sadd.s32 $0x4000, s10;
	s0 =	simm.s32 $0xE7B8;
	s3 =	sadd.s32 $0x70, s10  }
.LBB2_13:
0x1ef: {  	[hbm4b:s3+s2] =	stream.linear.scatter [tilespmem:s0], [sflag:$0x5], $0x80, $0x38;
	[tilespmem:$0x12800] =	vst v63  }
0x1f0: {  	s0 =	smov.u32 s29;
	s3 =	smov.u32 s31  }
0x1f1: {  	s10 =	sadd.s32 $0x1100, s31;
	s29 =	sshra.s32 s3, $0x2;
	s3 =	sadd.s32 $0xE400, s0  }
0x1f2: {  	[hbm4b:s30+s2] =	stream.linear.scatter [tilespmem:s3], [sflag:$0x5], $0x80, $0x38;
	[tilespmem:$0x12800] =	vst v63  }
0x1f3: {  	p1 =	sne.s32 s31, $0x7700;
	s31 =	sadd.s32 $0x10, s30;
	s3 =	sadd.s32 $0xE488, s0  }
0x1f4: {  	[hbm4b:s31+s2] =	stream.linear.scatter [tilespmem:s3], [sflag:$0x5], $0x80, $0x38;
	[tilespmem:$0x12800] =	vst v63  }
0x1f5: {  	s3 =	sadd.s32 $0xE510, s0;
	s31 =	sadd.s32 $0x20, s30  }
0x1f6: {  	[hbm4b:s31+s2] =	stream.linear.scatter [tilespmem:s3], [sflag:$0x5], $0x80, $0x38;
	[tilespmem:$0x12800] =	vst v63  }
0x1f7: {  	s3 =	sadd.s32 $0xE598, s0;
	s31 =	sadd.s32 $0x30, s30  }
0x1f8: {  	[hbm4b:s31+s2] =	stream.linear.scatter [tilespmem:s3], [sflag:$0x5], $0x80, $0x38;
	[tilespmem:$0x12800] =	vst v63  }
0x1f9: {  	s3 =	sadd.s32 $0xE620, s0;
	s31 =	sadd.s32 $0x40, s30  }
0x1fa: {  	[hbm4b:s31+s2] =	stream.linear.scatter [tilespmem:s3], [sflag:$0x5], $0x80, $0x38;
	[tilespmem:$0x12800] =	vst v63  }
.Ltmp5:
0x1fb: {  	s3 =	sadd.s32 $0xE6A8, s0;
	s31 =	sadd.s32 $0x50, s30;
	(pc) =	sbr.rel @p1 .LBB2_13-.Ltmp5, $4  }
0x1fc: {  	[hbm4b:s31+s2] =	stream.linear.scatter [tilespmem:s3], [sflag:$0x5], $0x80, $0x38;
	[tilespmem:$0x12800] =	vst v63  }
0x1fd: {  	s3 =	sadd.s32 $0xE730, s0;
	s31 =	sadd.s32 $0x60, s30;
	s0 =	sadd.s32 $0xE7B8, s0  }
0x1fe: {  	[hbm4b:s31+s2] =	stream.linear.scatter [tilespmem:s3], [sflag:$0x5], $0x80, $0x38;
	[tilespmem:$0x12800] =	vst v63  }
0x1ff: {  	s3 =	sadd.s32 $0x70, s30;
	s30 =	sadd.s32 $0x4000, s30;
	s31 =	smov.u32 s10  }
0x200: {  	[hbm4b:s3+s2] =	stream.linear.scatter [tilespmem:s0], [sflag:$0x5], $0x80, $0x38;
	[tilespmem:$0x12800] =	vst v63  }
0x201: {  	s3 =	sadd.s32 $0xE400, s29  }
0x202: {  	[hbm4b:s30+s2] =	stream.linear.scatter [tilespmem:s3], [sflag:$0x5], $0x80, $0x38;
	[tilespmem:$0x12800] =	vst v63  }
0x203: {  	s10 =	sadd.s32 $0xE488, s29;
	s31 =	sadd.s32 $0x10, s30  }
0x204: {  	[hbm4b:s31+s2] =	stream.linear.scatter [tilespmem:s10], [sflag:$0x5], $0x80, $0x38;
	[tilespmem:$0x12800] =	vst v63  }
0x205: {  	s10 =	sadd.s32 $0xE510, s29;
	s31 =	sadd.s32 $0x20, s30  }
0x206: {  	[hbm4b:s31+s2] =	stream.linear.scatter [tilespmem:s10], [sflag:$0x5], $0x80, $0x38;
	[tilespmem:$0x12800] =	vst v63  }
0x207: {  	s10 =	sadd.s32 $0xE598, s29;
	s31 =	sadd.s32 $0x30, s30  }
0x208: {  	[hbm4b:s31+s2] =	stream.linear.scatter [tilespmem:s10], [sflag:$0x5], $0x80, $0x38;
	[tilespmem:$0x12800] =	vst v63  }
0x209: {  	s10 =	sadd.s32 $0xE620, s29;
	s31 =	sadd.s32 $0x40, s30  }
0x20a: {  	[hbm4b:s31+s2] =	stream.linear.scatter [tilespmem:s10], [sflag:$0x5], $0x80, $0x38;
	[tilespmem:$0x12800] =	vst v63  }
0x20b: {  	s10 =	sadd.s32 $0xE6A8, s29;
	s31 =	sadd.s32 $0x50, s30  }
0x20c: {  	[hbm4b:s31+s2] =	stream.linear.scatter [tilespmem:s10], [sflag:$0x5], $0x80, $0x38;
	[tilespmem:$0x12800] =	vst v63  }
0x20d: {  	s10 =	sadd.s32 $0xE730, s29;
	s31 =	sadd.s32 $0x60, s30  }
0x20e: {  	[hbm4b:s31+s2] =	stream.linear.scatter [tilespmem:s10], [sflag:$0x5], $0x80, $0x38;
	[tilespmem:$0x12800] =	vst v63  }
0x20f: {  	s31 =	simm.s32 $0x0  }
0x210: {  	s3 =	sadd.s32 $0xE7B8, s29;
	s10 =	sadd.s32 $0x70, s30;
	v33 =	vmov s31;
	s31 =	simm.s32 $0x3  }
0x211: {  	[hbm4b:s10+s2] =	stream.linear.scatter [tilespmem:s3], [sflag:$0x5], $0x80, $0x38;
	[tilespmem:$0x12800] =	vst v63  }
0x212: {  	s3 =	simm.s32 $0x1;
	s10 =	simm.s32 $0x2;
	v33 =	vshrl.u32 v33, $0x3;
	v36 =	vmov s31;
	s31 =	simm.s32 $0x5  }
0x213: {  	_ =	swait.ge [sflag:s22], $0x2000;
	v34 =	vmov s3;
	v35 =	vmov s10;
	s10 =	simm.s32 $0x7;
	v39 =	vmov s31  }
0x214: {  	s3 =	simm.s32 $0x4;
	v33 =	vshll.u32 v33, v32;
	v36 =	vshrl.u32 v36, $0x3;
	[sflag:s22] =	ssyncset.done $0x0;
	v38 =	vmov s10  }
0x215: {  	v37 =	vmov s3;
	v34 =	vshrl.u32 v34, $0x3;
	[sflag:s22] =	ssyncadd.s32 $0xFFFFE000;
	v38 =	vshrl.u32 v38, $0x3  }
0x216: {  	v35 =	vshrl.u32 v35, $0x3;
	v33 =	vbroadcast v33, $0x0;
	_ =	swait.ge [sflag:s23], $0x2000;
	v38 =	vshll.u32 v38, v32  }
0x217: {  	s10 =	simm.s32 $0x6;
	v53 =	vshll.u32 v36, v32;
	v55 =	vshrl.u32 v39, $0x3;
	[sflag:s23] =	ssyncset.done $0x0;
	v38 =	vbroadcast v38, $0x0  }
0x218: {  	s29 =	simm.s32 $0xC500;
	v40 =	vmov s10;
	v37 =	vshrl.u32 v37, $0x3;
	v34 =	vshll.u32 v34, v32;
	[sflag:s23] =	ssyncadd.s32 $0xFFFFE000  }
0x219: {  	v52 =	vshll.u32 v35, v32;
	v45 =	vbroadcast v34, $0x0;
	v41 =	vld [tilespmem:s29+$0xC0];
	v42 =	vadd.s32 v7, v38  }
0x21a: {  	v35 =	vbroadcast v53, $0x0;
	v44 =	vadd.s32 v0, v33;
	v52 =	vbroadcast v52, $0x0;
	v43 =	vld [tilespmem:s29+$0xFFFFFF00]  }
0x21b: {  	v36 =	vshll.u32 v55, v32;
	v54 =	vshll.u32 v37, v32;
	v47 =	vadd.s32 v1, v45;
	v46 =	vld [tilespmem:s29+$0xFFFFFF40]  }
0x21c: {  	v40 =	vshrl.u32 v40, $0x3;
	v34 =	vbroadcast v54, $0x0;
	v49 =	vadd.s32 v2, v52;
	v48 =	vld [tilespmem:s29+$0xFFFFFF80]  }
0x21d: {  	v37 =	vbroadcast v36, $0x0;
	v50 =	vadd.s32 v3, v35;
	v56 =	vshll.u32 v40, v32;
	v39 =	vld [tilespmem:s29+$0xFFFFFFC0]  }
0x21e: {  	v36 =	vbroadcast v56, $0x0;
	v51 =	vld [tilespmem:s29+$0x0];
	v53 =	vadd.s32 v4, v34;
	[tilespmem:v42+s19+$0x0] =	vst.idx.msk $0xffff, v41  }
0x21f: {  	v60 =	vadd.s32 v5, v37;
	v59 =	vld [tilespmem:s29+$0x40];
	[tilespmem:v44+s19+$0x0] =	vst.idx.msk $0xffff, v43  }
0x220: {  	v61 =	vld [tilespmem:s29+$0x80];
	v62 =	vadd.s32 v6, v36;
	[tilespmem:v47+s19+$0x0] =	vst.idx.msk $0xffff, v46  }
0x221: {  	v58 =	vadd.s32 v29, v38;
	[tilespmem:v49+s19+$0x0] =	vst.idx.msk $0xffff, v48;
	v57 =	vld [tilespmem:s29+$0xD0]  }
0x222: {  	v63 =	vadd.s32 v11, v45;
	[tilespmem:v50+s19+$0x0] =	vst.idx.msk $0xffff, v39;
	v47 =	vld [tilespmem:s29+$0xFFFFFF50]  }
0x223: {  	v55 =	vadd.s32 v14, v52;
	[tilespmem:v53+s19+$0x0] =	vst.idx.msk $0xffff, v51;
	v54 =	vld [tilespmem:s29+$0xFFFFFF90]  }
0x224: {  	v56 =	vadd.s32 v17, v35;
	[tilespmem:v60+s19+$0x0] =	vst.idx.msk $0xffff, v59;
	v50 =	vld [tilespmem:s29+$0xFFFFFFD0]  }
0x225: {  	v46 =	vadd.s32 v23, v37;
	[tilespmem:v62+s19+$0x0] =	vst.idx.msk $0xffff, v61;
	v44 =	vld [tilespmem:s29+$0x50]  }
0x226: {  	v59 =	vadd.s32 v20, v34;
	[tilespmem:v58+s19+$0x0] =	vst.idx.msk $0xffff, v57;
	v58 =	vld [tilespmem:s29+$0x10]  }
0x227: {  	v57 =	vadd.s32 v30, v38;
	[tilespmem:v63+s19+$0x0] =	vst.idx.msk $0xffff, v47;
	v40 =	vld [tilespmem:s29+$0xE0]  }
0x228: {  	v61 =	vld [tilespmem:s29+$0xFFFFFF10];
	v62 =	vadd.s32 v8, v33;
	[tilespmem:v55+s19+$0x0] =	vst.idx.msk $0xffff, v54  }
0x229: {  	v60 =	vadd.s32 v26, v36;
	v63 =	vld [tilespmem:s29+$0x90];
	[tilespmem:v56+s19+$0x0] =	vst.idx.msk $0xffff, v50  }
0x22a: {  	v51 =	vadd.s32 v12, v45;
	[tilespmem:v46+s19+$0x0] =	vst.idx.msk $0xffff, v44;
	v50 =	vld [tilespmem:s29+$0xFFFFFF60]  }
0x22b: {  	v56 =	vadd.s32 v15, v52;
	v55 =	vld [tilespmem:s29+$0xFFFFFFA0];
	[tilespmem:v59+s19+$0x0] =	vst.idx.msk $0xffff, v58  }
0x22c: {  	v58 =	vadd.s32 v18, v35;
	[tilespmem:v57+s19+$0x0] =	vst.idx.msk $0xffff, v40;
	v57 =	vld [tilespmem:s29+$0xFFFFFFE0]  }
0x22d: {  	v38 =	vadd.s32 v31, v38;
	[tilespmem:v62+s19+$0x0] =	vst.idx.msk $0xffff, v61;
	v54 =	vld [tilespmem:s29+$0xF0]  }
0x22e: {  	s3 =	simm.s32 $0x9;
	[tilespmem:v60+s19+$0x0] =	vst.idx.msk $0xffff, v63;
	v60 =	vadd.s32 v21, v34;
	v59 =	vld [tilespmem:s29+$0x20]  }
0x22f: {  	s31 =	simm.s32 $0x8;
	v41 =	vadd.s32 v24, v37;
	v53 =	vmov s3;
	[tilespmem:v51+s19+$0x0] =	vst.idx.msk $0xffff, v50;
	v40 =	vld [tilespmem:s29+$0x60]  }
0x230: {  	v43 =	vadd.s32 v27, v36;
	s3 =	simm.s32 $0xC;
	v48 =	vadd.s32 v9, v33;
	v63 =	vmov s31;
	v42 =	vld [tilespmem:s29+$0xA0];
	[tilespmem:v56+s19+$0x0] =	vst.idx.msk $0xffff, v55  }
0x231: {  	s10 =	simm.s32 $0xA;
	v47 =	vmov s3;
	v52 =	vadd.s32 v16, v52;
	v46 =	vld [tilespmem:s29+$0xFFFFFF20];
	s31 =	simm.s32 $0xB;
	v39 =	vshrl.u32 v63, $0x3;
	[tilespmem:v58+s19+$0x0] =	vst.idx.msk $0xffff, v57  }
0x232: {  	v44 =	vmov s31;
	s31 =	simm.s32 $0xE;
	v51 =	vadd.s32 v13, v45;
	v49 =	vld [tilespmem:s29+$0xFFFFFF70];
	[tilespmem:v38+s19+$0x0] =	vst.idx.msk $0xffff, v54;
	v54 =	vmov s10;
	s10 =	simm.s32 $0xD  }
0x233: {  	s0 =	simm.s32 $0xF;
	s30 =	simm.s32 $0x10;
	v45 =	vshll.u32 v39, v32;
	v39 =	vmov s31;
	v50 =	vld [tilespmem:s29+$0xFFFFFFB0];
	[tilespmem:v60+s19+$0x0] =	vst.idx.msk $0xffff, v59;
	v38 =	vmov s10  }
.LBB2_15:
0x234: {  	p1 =	slt.u32 s30, $0x78;
	v53 =	vshrl.u32 v53, $0x3;
	v55 =	vmov s0;
	v56 =	vld [tilespmem:s29+$0xFFFFFFF0];
	v35 =	vadd.s32 v19, v35;
	[tilespmem:v41+s19+$0x0] =	vst.idx.msk $0xffff, v40  }
0x235: {  	v40 =	vshrl.u32 v54, $0x3;
	v34 =	vadd.s32 v22, v34;
	v41 =	vshrl.u32 v55, $0x3;
	v54 =	vld [tilespmem:s29+$0x30];
	[tilespmem:v43+s19+$0x0] =	vst.idx.msk $0xffff, v42  }
0x236: {  	v37 =	vadd.s32 v25, v37;
	v42 =	vshrl.u32 v44, $0x3;
	v41 =	vshll.u32 v41, v32;
	[tilespmem:v48+s19+$0x0] =	vst.idx.msk $0xffff, v46;
	v43 =	vld [tilespmem:s29+$0x70]  }
0x237: {  	v36 =	vadd.s32 v28, v36;
	v44 =	vshrl.u32 v47, $0x3;
	v41 =	vbroadcast v41, $0x0;
	[tilespmem:v51+s19+$0x0] =	vst.idx.msk $0xffff, v49;
	v46 =	vld [tilespmem:s29+$0xB0]  }
0x238: {  	v47 =	vshll.u32 v53, v32;
	v49 =	vadd.s32 v10, v33;
	v33 =	vbroadcast v45, $0x0;
	v48 =	vld [tilespmem:s29+$0xFFFFFF30];
	[tilespmem:v52+s19+$0x0] =	vst.idx.msk $0xffff, v50;
	s29 =	sadd.s32 $0x200, s29  }
0x239: {  	v40 =	vshll.u32 v40, v32;
	v45 =	vbroadcast v47, $0x0;
	v47 =	vld [tilespmem:s29+$0xC0];
	v50 =	vadd.s32 v7, v41;
	[tilespmem:v35+s19+$0x0] =	vst.idx.msk $0xffff, v56  }
0x23a: {  	v55 =	vbroadcast v40, $0x0;
	v52 =	vadd.s32 v0, v33;
	v35 =	vshll.u32 v42, v32;
	v51 =	vld [tilespmem:s29+$0xFFFFFF00];
	[tilespmem:v34+s19+$0x0] =	vst.idx.msk $0xffff, v54  }
0x23b: {  	v42 =	vadd.s32 v1, v45;
	v35 =	vbroadcast v35, $0x0;
	v34 =	vshll.u32 v44, v32;
	v40 =	vld [tilespmem:s29+$0xFFFFFF40];
	[tilespmem:v37+s19+$0x0] =	vst.idx.msk $0xffff, v43  }
0x23c: {  	v44 =	vadd.s32 v2, v55;
	v34 =	vbroadcast v34, $0x0;
	v37 =	vshrl.u32 v38, $0x3;
	v43 =	vld [tilespmem:s29+$0xFFFFFF80];
	[tilespmem:v36+s19+$0x0] =	vst.idx.msk $0xffff, v46  }
0x23d: {  	v39 =	vshrl.u32 v39, $0x3;
	v46 =	vadd.s32 v3, v35;
	v36 =	vshll.u32 v37, v32;
	v38 =	vld [tilespmem:s29+$0xFFFFFFC0];
	[tilespmem:v49+s19+$0x0] =	vst.idx.msk $0xffff, v48  }
0x23e: {  	v49 =	vadd.s32 v4, v34;
	v37 =	vbroadcast v36, $0x0;
	v36 =	vshll.u32 v39, v32;
	v48 =	vld [tilespmem:s29+$0x0];
	[tilespmem:v50+s19+$0x0] =	vst.idx.msk $0xffff, v47  }
0x23f: {  	v36 =	vbroadcast v36, $0x0;
	v47 =	vadd.s32 v29, v41;
	[tilespmem:v52+s19+$0x0] =	vst.idx.msk $0xffff, v51;
	v39 =	vld [tilespmem:s29+$0xD0]  }
0x240: {  	[tilespmem:v42+s19+$0x0] =	vst.idx.msk $0xffff, v40;
	v40 =	vld [tilespmem:s29+$0x40];
	v42 =	vadd.s32 v5, v37  }
0x241: {  	[tilespmem:v44+s19+$0x0] =	vst.idx.msk $0xffff, v43;
	v43 =	vld [tilespmem:s29+$0x80];
	v44 =	vadd.s32 v6, v36  }
0x242: {  	v51 =	vadd.s32 v11, v45;
	v50 =	vld [tilespmem:s29+$0xFFFFFF50];
	[tilespmem:v46+s19+$0x0] =	vst.idx.msk $0xffff, v38  }
0x243: {  	v46 =	vadd.s32 v14, v55;
	v38 =	vld [tilespmem:s29+$0xFFFFFF90];
	[tilespmem:v49+s19+$0x0] =	vst.idx.msk $0xffff, v48  }
0x244: {  	v49 =	vadd.s32 v17, v35;
	v48 =	vld [tilespmem:s29+$0xFFFFFFD0];
	[tilespmem:v47+s19+$0x0] =	vst.idx.msk $0xffff, v39  }
0x245: {  	[tilespmem:v42+s19+$0x0] =	vst.idx.msk $0xffff, v40;
	v39 =	vld [tilespmem:s29+$0xE0];
	v40 =	vadd.s32 v30, v41  }
0x246: {  	v47 =	vadd.s32 v20, v34;
	v42 =	vld [tilespmem:s29+$0x10];
	[tilespmem:v44+s19+$0x0] =	vst.idx.msk $0xffff, v43  }
0x247: {  	v44 =	vadd.s32 v23, v37;
	[tilespmem:v51+s19+$0x0] =	vst.idx.msk $0xffff, v50;
	v43 =	vld [tilespmem:s29+$0x50]  }
0x248: {  	[tilespmem:v46+s19+$0x0] =	vst.idx.msk $0xffff, v38;
	v38 =	vld [tilespmem:s29+$0x90];
	v46 =	vadd.s32 v26, v36  }
0x249: {  	v51 =	vadd.s32 v8, v33;
	v50 =	vld [tilespmem:s29+$0xFFFFFF10];
	[tilespmem:v49+s19+$0x0] =	vst.idx.msk $0xffff, v48  }
0x24a: {  	v49 =	vadd.s32 v12, v45;
	v48 =	vld [tilespmem:s29+$0xFFFFFF60];
	[tilespmem:v40+s19+$0x0] =	vst.idx.msk $0xffff, v39  }
0x24b: {  	[tilespmem:v47+s19+$0x0] =	vst.idx.msk $0xffff, v42;
	v39 =	vld [tilespmem:s29+$0xF0];
	v47 =	vadd.s32 v31, v41  }
0x24c: {  	v56 =	vadd.s32 v15, v55;
	v52 =	vld [tilespmem:s29+$0xFFFFFFA0];
	[tilespmem:v44+s19+$0x0] =	vst.idx.msk $0xffff, v43  }
0x24d: {  	v58 =	vadd.s32 v18, v35;
	v57 =	vld [tilespmem:s29+$0xFFFFFFE0];
	[tilespmem:v46+s19+$0x0] =	vst.idx.msk $0xffff, v38  }
0x24e: {  	v60 =	vadd.s32 v21, v34;
	[tilespmem:v51+s19+$0x0] =	vst.idx.msk $0xffff, v50;
	v59 =	vld [tilespmem:s29+$0x20]  }
.Ltmp6:
0x24f: {  	s0 =	sadd.s32 $0x1, s30;
	v41 =	vadd.s32 v24, v37;
	v38 =	vmov s30;
	[tilespmem:v49+s19+$0x0] =	vst.idx.msk $0xffff, v48;
	v40 =	vld [tilespmem:s29+$0x60];
	(pc) =	sbr.rel @p1 .LBB2_15-.Ltmp6, $4  }
0x250: {  	s3 =	sadd.s32 $0x3, s30;
	v53 =	vmov s0;
	s0 =	sadd.s32 $0x2, s30;
	v43 =	vadd.s32 v27, v36;
	v50 =	vshrl.u32 v38, $0x3;
	v42 =	vld [tilespmem:s29+$0xA0];
	[tilespmem:v47+s19+$0x0] =	vst.idx.msk $0xffff, v39  }
0x251: {  	v54 =	vmov s0;
	s0 =	sadd.s32 $0x4, s30;
	v44 =	vmov s3;
	s3 =	sadd.s32 $0x5, s30;
	v48 =	vadd.s32 v9, v33;
	v46 =	vld [tilespmem:s29+$0xFFFFFF20];
	[tilespmem:v56+s19+$0x0] =	vst.idx.msk $0xffff, v52  }
0x252: {  	v38 =	vmov s3;
	v51 =	vadd.s32 v13, v45;
	v47 =	vmov s0;
	s0 =	sadd.s32 $0x6, s30;
	v49 =	vld [tilespmem:s29+$0xFFFFFF70];
	[tilespmem:v58+s19+$0x0] =	vst.idx.msk $0xffff, v57  }
0x253: {  	v45 =	vshll.u32 v50, v32;
	v39 =	vmov s0;
	s0 =	sadd.s32 $0x7, s30;
	s30 =	sadd.s32 $0x8, s30;
	v52 =	vadd.s32 v16, v55;
	v50 =	vld [tilespmem:s29+$0xFFFFFFB0];
	[tilespmem:v60+s19+$0x0] =	vst.idx.msk $0xffff, v59  }
0x254: {  	_ =	sdelay $0x2  }
0x255: {  	v53 =	vshrl.u32 v53, $0x3  }
0x256: {  	v55 =	vmov s0;
	v56 =	vld [tilespmem:s29+$0xFFFFFFF0];
	v35 =	vadd.s32 v19, v35;
	[tilespmem:v41+s19+$0x0] =	vst.idx.msk $0xffff, v40;
	v57 =	vshrl.u32 v54, $0x3  }
0x257: {  	v59 =	vld [tilespmem:s29+$0x30];
	v34 =	vadd.s32 v22, v34;
	v60 =	vshrl.u32 v44, $0x3;
	v58 =	vshrl.u32 v55, $0x3;
	[tilespmem:v43+s19+$0x0] =	vst.idx.msk $0xffff, v42  }
0x258: {  	v37 =	vadd.s32 v25, v37;
	v62 =	vshrl.u32 v47, $0x3;
	v61 =	vld [tilespmem:s29+$0x70];
	v41 =	vshll.u32 v58, v32;
	[tilespmem:v48+s19+$0x0] =	vst.idx.msk $0xffff, v46  }
0x259: {  	v36 =	vadd.s32 v28, v36;
	v45 =	vbroadcast v45, $0x0;
	v63 =	vld [tilespmem:s29+$0xB0];
	v41 =	vbroadcast v41, $0x0;
	[tilespmem:v51+s19+$0x0] =	vst.idx.msk $0xffff, v49  }
0x25a: {  	v33 =	vadd.s32 v10, v33;
	v38 =	vshrl.u32 v38, $0x3;
	v55 =	vshll.u32 v53, v32;
	v48 =	vld [tilespmem:s29+$0xFFFFFF30];
	s29 =	sadd.s32 $0x200, s29;
	[tilespmem:v52+s19+$0x0] =	vst.idx.msk $0xffff, v50  }
0x25b: {  	v40 =	vshll.u32 v57, v32;
	v47 =	vbroadcast v55, $0x0;
	v49 =	vld [tilespmem:s29+$0xC0];
	v50 =	vadd.s32 v7, v41;
	[tilespmem:v35+s19+$0x0] =	vst.idx.msk $0xffff, v56  }
0x25c: {  	v42 =	vshll.u32 v60, v32;
	v40 =	vbroadcast v40, $0x0;
	v35 =	vld [tilespmem:s29+$0xFFFFFF00];
	v56 =	vadd.s32 v0, v45;
	[tilespmem:v34+s19+$0x0] =	vst.idx.msk $0xffff, v59  }
0x25d: {  	v44 =	vshll.u32 v62, v32;
	v42 =	vbroadcast v42, $0x0;
	v57 =	vld [tilespmem:s29+$0xFFFFFF40];
	v58 =	vadd.s32 v1, v47;
	[tilespmem:v37+s19+$0x0] =	vst.idx.msk $0xffff, v61  }
0x25e: {  	v38 =	vshll.u32 v38, v32;
	v44 =	vbroadcast v44, $0x0;
	v60 =	vadd.s32 v2, v40;
	v59 =	vld [tilespmem:s29+$0xFFFFFF80];
	[tilespmem:v36+s19+$0x0] =	vst.idx.msk $0xffff, v63  }
0x25f: {  	v38 =	vbroadcast v38, $0x0;
	v62 =	vadd.s32 v3, v42;
	v61 =	vld [tilespmem:s29+$0xFFFFFFC0];
	[tilespmem:v33+s19+$0x0] =	vst.idx.msk $0xffff, v48  }
0x260: {  	v39 =	vshrl.u32 v39, $0x3;
	v63 =	vadd.s32 v4, v44;
	v33 =	vld [tilespmem:s29+$0x0];
	[tilespmem:v50+s19+$0x0] =	vst.idx.msk $0xffff, v49  }
0x261: {  	v39 =	vshll.u32 v39, v32;
	v34 =	vld [tilespmem:s29+$0x40];
	[tilespmem:v56+s19+$0x0] =	vst.idx.msk $0xffff, v35;
	v56 =	vadd.s32 v5, v38  }
0x262: {  	[tilespmem:v58+s19+$0x0] =	vst.idx.msk $0xffff, v57;
	v35 =	vbroadcast v39, $0x0;
	v49 =	vadd.s32 v29, v41;
	v39 =	vld [tilespmem:s29+$0xD0]  }
0x263: {  	[tilespmem:v60+s19+$0x0] =	vst.idx.msk $0xffff, v59;
	v59 =	vld [tilespmem:s29+$0xFFFFFF50];
	v60 =	vadd.s32 v11, v47  }
0x264: {  	v57 =	vld [tilespmem:s29+$0x80];
	[tilespmem:v62+s19+$0x0] =	vst.idx.msk $0xffff, v61;
	v58 =	vadd.s32 v6, v35  }
0x265: {  	v61 =	vld [tilespmem:s29+$0xFFFFFF90];
	v62 =	vadd.s32 v14, v40;
	[tilespmem:v63+s19+$0x0] =	vst.idx.msk $0xffff, v33  }
0x266: {  	v33 =	vld [tilespmem:s29+$0xFFFFFFD0];
	v63 =	vadd.s32 v17, v42;
	[tilespmem:v56+s19+$0x0] =	vst.idx.msk $0xffff, v34  }
0x267: {  	v56 =	vadd.s32 v20, v44;
	[tilespmem:v49+s19+$0x0] =	vst.idx.msk $0xffff, v39;
	v49 =	vld [tilespmem:s29+$0x10]  }
0x268: {  	[tilespmem:v60+s19+$0x0] =	vst.idx.msk $0xffff, v59;
	v39 =	vadd.s32 v30, v41;
	v34 =	vld [tilespmem:s29+$0xE0]  }
0x269: {  	[tilespmem:v58+s19+$0x0] =	vst.idx.msk $0xffff, v57;
	v57 =	vld [tilespmem:s29+$0x50];
	v58 =	vadd.s32 v23, v38  }
0x26a: {  	[tilespmem:v62+s19+$0x0] =	vst.idx.msk $0xffff, v61;
	v61 =	vld [tilespmem:s29+$0xFFFFFF10];
	v62 =	vadd.s32 v8, v45  }
0x26b: {  	v60 =	vadd.s32 v26, v35;
	v59 =	vld [tilespmem:s29+$0x90];
	[tilespmem:v63+s19+$0x0] =	vst.idx.msk $0xffff, v33  }
0x26c: {  	v55 =	vadd.s32 v15, v40;
	v54 =	vadd.s32 v31, v41;
	v41 =	vld [tilespmem:s29+$0xFFFFFFA0];
	[tilespmem:v56+s19+$0x0] =	vst.idx.msk $0xffff, v49  }
0x26d: {  	v53 =	vadd.s32 v12, v47;
	v63 =	vld [tilespmem:s29+$0xFFFFFF60];
	[tilespmem:v39+s19+$0x0] =	vst.idx.msk $0xffff, v34  }
0x26e: {  	v56 =	vld [tilespmem:s29+$0xFFFFFFE0];
	[tilespmem:v58+s19+$0x0] =	vst.idx.msk $0xffff, v57;
	v57 =	vadd.s32 v18, v42  }
0x26f: {  	[tilespmem:v62+s19+$0x0] =	vst.idx.msk $0xffff, v61;
	v34 =	vld [tilespmem:s29+$0xF0]  }
0x270: {  	v58 =	vld [tilespmem:s29+$0x20];
	[tilespmem:v60+s19+$0x0] =	vst.idx.msk $0xffff, v59;
	v59 =	vadd.s32 v21, v44  }
0x271: {  	v61 =	vadd.s32 v24, v38;
	[tilespmem:v55+s19+$0x0] =	vst.idx.msk $0xffff, v41;
	v60 =	vld [tilespmem:s29+$0x60]  }
0x272: {  	[tilespmem:v53+s19+$0x0] =	vst.idx.msk $0xffff, v63;
	v63 =	vadd.s32 v27, v35;
	v62 =	vld [tilespmem:s29+$0xA0]  }
0x273: {  	v47 =	vadd.s32 v13, v47;
	v55 =	vld [tilespmem:s29+$0xFFFFFF70];
	[tilespmem:v57+s19+$0x0] =	vst.idx.msk $0xffff, v56  }
0x274: {  	v53 =	vld [tilespmem:s29+$0xFFFFFF20];
	[tilespmem:v54+s19+$0x0] =	vst.idx.msk $0xffff, v34;
	v54 =	vadd.s32 v9, v45  }
0x275: {  	v40 =	vadd.s32 v16, v40;
	v56 =	vld [tilespmem:s29+$0xFFFFFFB0];
	[tilespmem:v59+s19+$0x0] =	vst.idx.msk $0xffff, v58  }
0x276: {  	v42 =	vadd.s32 v19, v42;
	v57 =	vld [tilespmem:s29+$0xFFFFFFF0];
	[tilespmem:v61+s19+$0x0] =	vst.idx.msk $0xffff, v60  }
0x277: {  	v59 =	vadd.s32 v22, v44;
	v58 =	vld [tilespmem:s29+$0x30];
	[tilespmem:v63+s19+$0x0] =	vst.idx.msk $0xffff, v62  }
0x278: {  	v38 =	vadd.s32 v25, v38;
	v60 =	vld [tilespmem:s29+$0x70];
	[tilespmem:v47+s19+$0x0] =	vst.idx.msk $0xffff, v55  }
0x279: {  	v35 =	vadd.s32 v28, v35;
	v61 =	vld [tilespmem:s29+$0xB0];
	[tilespmem:v54+s19+$0x0] =	vst.idx.msk $0xffff, v53  }
0x27a: {  	v63 =	vadd.s32 v10, v45;
	[tilespmem:v40+s19+$0x0] =	vst.idx.msk $0xffff, v56;
	v62 =	vld [tilespmem:s29+$0xFFFFFF30]  }
0x27b: {  	[tilespmem:v42+s19+$0x0] =	vst.idx.msk $0xffff, v57  }
0x27c: {  	[tilespmem:v59+s19+$0x0] =	vst.idx.msk $0xffff, v58  }
0x27d: {  	s30 =	sor.u32 $0x3, s26;
	[tilespmem:v38+s19+$0x0] =	vst.idx.msk $0xffff, v60  }
0x27e: {  	s3 =	sadd.s32 @!p0 $0x380, s28;
	s0 =	sadd.s32 s5, s30;
	[tilespmem:v35+s19+$0x0] =	vst.idx.msk $0xffff, v61  }
0x27f: {  	s10 =	simm.s32 @!p0 $0x80;
	s26 =	simm.s32 @!p0 $0xC400;
	s31 =	sshll.u32 s0, $0x7;
	[tilespmem:v63+s19+$0x0] =	vst.idx.msk $0xffff, v62  }
0x280: {  	[tilespmem:s26], [sflag:$0x4] =	stream.indirect.gather @!p0 [hbm4b:s4+s10], $0x40, s3, s10, $0xb8;
	[tilespmem:$0x12800] =	vst v63  }
0x281: {  	s0 =	sshll.u32 s0, $0xA;
	s3 =	sand.u32 $0x3F80, s31  }
0x282: {  	s0 =	sand.u32 $0xFFE0000, s0;
	s3 =	sadd.s32 s1, s3  }
0x283: {  	s10 =	sadd.s32 s0, s3;
	s3 =	simm.s32 $0x10600  }
0x284: {  	[hbm4b:s10+s2] =	stream.linear.scatter [tilespmem:s3], [sflag:$0x6], $0x80, $0x38;
	[tilespmem:$0x12800] =	vst v63  }
0x285: {  	s26 =	simm.s32 $0x10688;
	s3 =	sadd.s32 $0x10, s10  }
0x286: {  	[hbm4b:s3+s2] =	stream.linear.scatter [tilespmem:s26], [sflag:$0x6], $0x80, $0x38;
	[tilespmem:$0x12800] =	vst v63  }
0x287: {  	s30 =	simm.s32 $0x10710;
	s29 =	simm.s32 $0x2200;
	s31 =	sadd.s32 $0x20, s10  }
0x288: {  	[hbm4b:s31+s2] =	stream.linear.scatter [tilespmem:s30], [sflag:$0x6], $0x80, $0x38;
	[tilespmem:$0x12800] =	vst v63  }
0x289: {  	s0 =	simm.s32 $0x109B8;
	s3 =	simm.s32 $0x10798;
	s26 =	sadd.s32 $0x30, s10  }
0x28a: {  	[hbm4b:s26+s2] =	stream.linear.scatter [tilespmem:s3], [sflag:$0x6], $0x80, $0x38;
	[tilespmem:$0x12800] =	vst v63  }
0x28b: {  	s28 =	sadd.s32 $0x4000, s10;
	s30 =	simm.s32 $0x10820;
	s31 =	sadd.s32 $0x40, s10  }
0x28c: {  	[hbm4b:s31+s2] =	stream.linear.scatter [tilespmem:s30], [sflag:$0x6], $0x80, $0x38;
	[tilespmem:$0x12800] =	vst v63  }
0x28d: {  	s3 =	simm.s32 $0x108A8;
	s26 =	sadd.s32 $0x50, s10;
	s30 =	simm.s32 $0x10930  }
0x28e: {  	[hbm4b:s26+s2] =	stream.linear.scatter [tilespmem:s3], [sflag:$0x6], $0x80, $0x38;
	[tilespmem:$0x12800] =	vst v63  }
0x28f: {  	s31 =	sadd.s32 $0x60, s10;
	s26 =	simm.s32 $0x440;
	s3 =	sadd.s32 $0x70, s10  }
0x290: {  	[hbm4b:s31+s2] =	stream.linear.scatter [tilespmem:s30], [sflag:$0x6], $0x80, $0x38;
	[tilespmem:$0x12800] =	vst v63  }
.LBB2_17:
0x291: {  	[hbm4b:s3+s2] =	stream.linear.scatter [tilespmem:s0], [sflag:$0x6], $0x80, $0x38;
	[tilespmem:$0x12800] =	vst v63  }
0x292: {  	s0 =	smov.u32 s26;
	s3 =	smov.u32 s29  }
0x293: {  	s10 =	sadd.s32 $0x1100, s29;
	s26 =	sshra.s32 s3, $0x2;
	s3 =	sadd.s32 $0x10600, s0  }
0x294: {  	[hbm4b:s28+s2] =	stream.linear.scatter [tilespmem:s3], [sflag:$0x6], $0x80, $0x38;
	[tilespmem:$0x12800] =	vst v63  }
0x295: {  	p0 =	sne.s32 s29, $0x7700;
	s29 =	sadd.s32 $0x10, s28;
	s3 =	sadd.s32 $0x10688, s0  }
0x296: {  	[hbm4b:s29+s2] =	stream.linear.scatter [tilespmem:s3], [sflag:$0x6], $0x80, $0x38;
	[tilespmem:$0x12800] =	vst v63  }
0x297: {  	s3 =	sadd.s32 $0x10710, s0;
	s29 =	sadd.s32 $0x20, s28  }
0x298: {  	[hbm4b:s29+s2] =	stream.linear.scatter [tilespmem:s3], [sflag:$0x6], $0x80, $0x38;
	[tilespmem:$0x12800] =	vst v63  }
0x299: {  	s3 =	sadd.s32 $0x10798, s0;
	s29 =	sadd.s32 $0x30, s28  }
0x29a: {  	[hbm4b:s29+s2] =	stream.linear.scatter [tilespmem:s3], [sflag:$0x6], $0x80, $0x38;
	[tilespmem:$0x12800] =	vst v63  }
0x29b: {  	s3 =	sadd.s32 $0x10820, s0;
	s29 =	sadd.s32 $0x40, s28  }
0x29c: {  	[hbm4b:s29+s2] =	stream.linear.scatter [tilespmem:s3], [sflag:$0x6], $0x80, $0x38;
	[tilespmem:$0x12800] =	vst v63  }
.Ltmp7:
0x29d: {  	s3 =	sadd.s32 $0x108A8, s0;
	s29 =	sadd.s32 $0x50, s28;
	(pc) =	sbr.rel @p0 .LBB2_17-.Ltmp7, $4  }
0x29e: {  	[hbm4b:s29+s2] =	stream.linear.scatter [tilespmem:s3], [sflag:$0x6], $0x80, $0x38;
	[tilespmem:$0x12800] =	vst v63  }
0x29f: {  	s3 =	sadd.s32 $0x10930, s0;
	s29 =	sadd.s32 $0x60, s28;
	s0 =	sadd.s32 $0x109B8, s0  }
0x2a0: {  	[hbm4b:s29+s2] =	stream.linear.scatter [tilespmem:s3], [sflag:$0x6], $0x80, $0x38;
	[tilespmem:$0x12800] =	vst v63  }
0x2a1: {  	s3 =	sadd.s32 $0x70, s28;
	s28 =	sadd.s32 $0x4000, s28;
	s29 =	smov.u32 s10  }
0x2a2: {  	[hbm4b:s3+s2] =	stream.linear.scatter [tilespmem:s0], [sflag:$0x6], $0x80, $0x38;
	[tilespmem:$0x12800] =	vst v63  }
0x2a3: {  	s29 =	sadd.s32 $0x10600, s26  }
0x2a4: {  	[hbm4b:s28+s2] =	stream.linear.scatter [tilespmem:s29], [sflag:$0x6], $0x80, $0x38;
	[tilespmem:$0x12800] =	vst v63  }
0x2a5: {  	s30 =	sadd.s32 $0x10688, s26;
	s31 =	sadd.s32 $0x10, s28  }
0x2a6: {  	[hbm4b:s31+s2] =	stream.linear.scatter [tilespmem:s30], [sflag:$0x6], $0x80, $0x38;
	[tilespmem:$0x12800] =	vst v63  }
0x2a7: {  	s10 =	sadd.s32 $0x10710, s26;
	s29 =	sadd.s32 $0x20, s28  }
0x2a8: {  	[hbm4b:s29+s2] =	stream.linear.scatter [tilespmem:s10], [sflag:$0x6], $0x80, $0x38;
	[tilespmem:$0x12800] =	vst v63  }
0x2a9: {  	s30 =	sadd.s32 $0x10798, s26;
	s31 =	sadd.s32 $0x30, s28  }
0x2aa: {  	[hbm4b:s31+s2] =	stream.linear.scatter [tilespmem:s30], [sflag:$0x6], $0x80, $0x38;
	[tilespmem:$0x12800] =	vst v63  }
0x2ab: {  	s25 =	sadd.s32 $0x1, s25;
	s10 =	sadd.s32 $0x10820, s26;
	s29 =	sadd.s32 $0x40, s28  }
0x2ac: {  	[hbm4b:s29+s2] =	stream.linear.scatter [tilespmem:s10], [sflag:$0x6], $0x80, $0x38;
	[tilespmem:$0x12800] =	vst v63  }
0x2ad: {  	p0 =	sne.s32 s25, $0x32;
	s30 =	sadd.s32 $0x108A8, s26;
	s31 =	sadd.s32 $0x50, s28  }
0x2ae: {  	[hbm4b:s31+s2] =	stream.linear.scatter [tilespmem:s30], [sflag:$0x6], $0x80, $0x38;
	[tilespmem:$0x12800] =	vst v63  }
.Ltmp8:
0x2af: {  	_ = 	snop;
	(pc) =	sbr.rel @p0 .LBB2_2-.Ltmp8, $4  }
0x2b0: {  	s10 =	sadd.s32 $0x10930, s26;
	s29 =	sadd.s32 $0x60, s28  }
0x2b1: {  	[hbm4b:s29+s2] =	stream.linear.scatter [tilespmem:s10], [sflag:$0x6], $0x80, $0x38;
	[tilespmem:$0x12800] =	vst v63  }
0x2b2: {  	s30 =	sadd.s32 $0x109B8, s26;
	s31 =	sadd.s32 $0x70, s28  }
0x2b3: {  	[hbm4b:s31+s2] =	stream.linear.scatter [tilespmem:s30], [sflag:$0x6], $0x80, $0x38;
	[tilespmem:$0x12800] =	vst v63  }
0x2b4: {  	s24 =	sadd.s32 $0x1, s24  }
0x2b5: {  	_ =	swait.ge [sflag:s21], $0x2000;
	p0 =	sne.s32 s24, s7  }
.Ltmp9:
0x2b6: {  	[sflag:s21] =	ssyncset.done $0x0;
	(pc) =	sbr.rel @p0 .LBB2_1-.Ltmp9, $4  }
0x2b7: {  	[sflag:s21] =	ssyncadd.s32 $0xFFFFE000  }
0x2b8: {  	_ =	swait.ge [sflag:s23], $0x2000  }
0x2b9: {  	[sflag:s23] =	ssyncset.done $0x0  }
0x2ba: {  	[sflag:s23] =	ssyncadd.s32 $0xFFFFE000  }
0x2bb: {  	_ =	sfence.sel $0x180000  }
0x2bc: {  	[bflag:$0x0] =	sbarrier.arrive $0xFFFF  }
0x2bd: {  	_ =	strace $0x90000047  }
0x2be: {  	s0 =	stileid.u32;
	[bflag:$0x2] =	sbarrier.arrive $0xFFFF  }
0x2bf: {  	p0 =	sne.s32 s0, $0x0;
	s0 =	rddreg [dreg:$0x3]  }
0x2c0: {  	s0 =	sadd.s32 @!p0 $0x100000, s0  }
0x2c1: {  	[sflag:s0] =	ssyncadd.tile.s32 @!p0 $0x1;
	_ =	shalt  }
.Lfunc_end2:
_tile_overlayer_lowered:
.L_overlay_start_2:
0x2c2: {  	(tag) =	ssettag $0x2  }
0x2c3: {  	s0 =	rddreg [dreg:$0x0];
	s2 =	stileid.u32  }
0x2c4: {  	s1 =	rddreg [dreg:$0x1];
	p0 =	sne.s32 s2, $0x0  }
0x2c5: {  	s3 =	rddreg [dreg:$0x2];
	[bflag:$0x3] =	sbarrier.arrive $0xFFFF;
	s2 =	simm.s32 @!p0 $0x1C07  }
0x2c6: {  	[timem:s3], [sflag:s2] =	dma.local @!p0 [hbm:s0], s1  }
0x2c7: {  	s0 =	simm.s32 @!p0 $0x7  }
0x2c8: {  	_ =	swait.ge @!p0 [sflag:s0], s1  }
0x2c9: {  	s1 =	ssub.s32 @!p0 $0x0, s1;
	[sflag:s0] =	ssyncset.done @!p0 $0x0  }
0x2ca: {  	[sflag:s0] =	ssyncadd.s32 @!p0 s1  }
0x2cb: {  	[bflag:$0x3] =	sbarrier.arrive $0xFFFF  }
0x2cc: {  	_ =	shalt  }

</sc_bundles>
